<compile_context>
chip_gen: v7x
topology: tpu7x:2x2x1
jax: 0.10.2.dev20260603
libtpu: 0.0.44.dev20260713+nightly
codegen_flags: <defaults>
</compile_context>

<pallas_src>
import functools

import jax
import jax.numpy as jnp
from jax import lax
from jax.experimental import pallas as pl
from jax.experimental.pallas import tpu as pltpu
from jax.experimental.pallas import tpu_sc as plsc

L = 200
B = 1024
E = 64
V = 1000000
LANES = 16
NBG = 8
BGW = B // NBG
NLG = 4
PH = L // NLG
NG = BGW // LANES
FW = 2 * E + 1


@functools.partial(
    pl.kernel,
    out_type=jax.ShapeDtypeStruct((L, E, B), jnp.float32),
    mesh=plsc.VectorSubcoreMesh(core_axis_name="c", subcore_axis_name="s"),
    scratch_types=[
        pltpu.VMEM((L, BGW), jnp.int32),
        pltpu.VMEM((E, L), jnp.float32),
        pltpu.VMEM((BGW, FW), jnp.float32),
        pltpu.VMEM((BGW, FW), jnp.float32),
        pltpu.VMEM((E, BGW), jnp.float32),
        pltpu.VMEM((E, BGW), jnp.float32),
        pltpu.SemaphoreType.DMA,
        pltpu.SemaphoreType.DMA,
        pltpu.SemaphoreType.DMA,
        pltpu.SemaphoreType.DMA,
    ],
    compiler_params=pltpu.CompilerParams(needs_layout_passes=False),
)
def _embed_kernel(idx_hbm, table_hbm, post_hbm, out_hbm,
                  idx_v, post_v, frows0, frows1, trows0, trows1,
                  gsem0, gsem1, osem0, osem1):
    wid = lax.axis_index("s") * 2 + lax.axis_index("c")
    bg = wid % NBG
    lg = wid // NBG
    b0 = bg * BGW
    l0 = lg * PH

    frows = (frows0, frows1)
    trows = (trows0, trows1)
    gsem = (gsem0, gsem1)
    osem = (osem0, osem1)

    pltpu.sync_copy(idx_hbm.at[:, pl.ds(b0, BGW)], idx_v)
    pltpu.sync_copy(post_hbm, post_v)

    iota16 = lax.iota(jnp.int32, LANES)

    def g_copy(u, j):
        return pltpu.make_async_copy(
            table_hbm.at[idx_v.at[l0 + u]], frows[j].at[:, pl.ds(0, 2 * E)],
            gsem[j])

    def o_copy(u, j):
        l = l0 + u
        return pltpu.make_async_copy(
            trows[j], out_hbm.at[l, :, pl.ds(b0, BGW)], osem[j])

    def process(u, j):
        l = l0 + u
        rids = [iota16 + g * LANES for g in range(NG)]
        lsplat = jnp.full((LANES,), l, jnp.int32)

        @plsc.parallel_loop(0, E, unroll=2)
        def ebody(e):
            esplat = jnp.full((LANES,), e, jnp.int32)
            pv = plsc.load_gather(post_v, [esplat, lsplat])
            for g in range(NG):
                val = plsc.load_gather(frows[j], [rids[g], esplat])
                trows[j][e, pl.ds(g * LANES, LANES)] = val + pv

    def unit(u, j):
        @pl.when(u + 1 < PH)
        def _():
            g_copy(u + 1, 1 - j).start()

        g_copy(u, j).wait()

        @pl.when(u >= 2)
        def _():
            o_copy(u - 2, j).wait()

        process(u, j)
        o_copy(u, j).start()

    g_copy(0, 0).start()

    def body(i, carry):
        unit(2 * i, 0)
        unit(2 * i + 1, 1)
        return carry

    lax.fori_loop(0, PH // 2, body, 0)
    o_copy(PH - 2, 0).wait()
    o_copy(PH - 1, 1).wait()


def kernel(inputs, embedding, posembedding):
    table = jnp.pad(embedding, ((0, 0), (0, E)))
    post = posembedding.T
    outt = _embed_kernel(inputs.astype(jnp.int32), table, post)
    return jnp.transpose(outt, (0, 2, 1))

# --- scband reference (transcript-rebuilt; emitter-appended) ---
"""Pipeline reference for scband-embed-39427799777661 (READ-ONLY COPY).

The authoritative reference and input builder live on the scoring server;
editing this copy changes nothing except your own understanding.
"""

import jax, jax.numpy as jnp
import numpy as np

VOCAB = 1000000
EMB = 64
MAX_LENGTH = 200
BATCH = 1024

def setup_inputs(seed: int = 0) -> dict:
    key = jax.random.key(seed)
    k1, k2, k3 = jax.random.split(key, 3)
    inputs = jax.random.randint(k1, (MAX_LENGTH, BATCH), 0, VOCAB, dtype=jnp.int64) if jax.config.jax_enable_x64 else jax.random.randint(k1, (MAX_LENGTH, BATCH), 0, VOCAB, dtype=jnp.int32)
    embedding = jax.random.normal(k2, (VOCAB, EMB), dtype=jnp.float32) * 0.02
    posembedding = jax.random.normal(k3, (MAX_LENGTH, EMB), dtype=jnp.float32) * 0.02
    return {"inputs": inputs, "embedding": embedding, "posembedding": posembedding}

def reference(inputs, embedding, posembedding):
    # token_embedding = self.embedding(inputs) -> [L, B, E]
    token_embedding = jnp.take(embedding, inputs, axis=0)
    # torch.transpose(token_embedding, 0, 1) -> [B, L, E]
    token_embedding = jnp.transpose(token_embedding, (1, 0, 2))
    # position = torch.arange(max_length); pos_embedding = self.posembedding(position) -> [L, E]
    position = jnp.arange(MAX_LENGTH)
    pos_embedding = jnp.take(posembedding, position, axis=0)
    # broadcast add: [B, L, E] + [L, E]
    embeddings = token_embedding + pos_embedding
    # transpose back -> [L, B, E]
    embeddings = jnp.transpose(embeddings, (1, 0, 2))
    return embeddings

if __name__ == "__main__":
    import jax
    _d = setup_inputs()
    print(jax.jit(kernel)(*tuple(_d.values())))

</pallas_src>

<mosaic_0001>
#map = affine_map<(d0, d1) -> (0, 0)>
#map1 = affine_map<(d0, d1) -> (0, 0, 0)>
module attributes {stable_mosaic.version = 14 : i64} {
  func.func @_embed_kernel(%arg0: i32, %arg1: i32, %arg2: memref<200x1024xi32, #tpu.memory_space<hbm>>, %arg3: memref<1000000x128xf32, #tpu.memory_space<hbm>>, %arg4: memref<64x200xf32, #tpu.memory_space<hbm>>, %arg5: memref<200x64x1024xf32, #tpu.memory_space<hbm>>, %arg6: memref<200x128xi32, #tpu.memory_space<vmem>>, %arg7: memref<64x200xf32, #tpu.memory_space<vmem>>, %arg8: memref<128x129xf32, #tpu.memory_space<vmem>>, %arg9: memref<128x129xf32, #tpu.memory_space<vmem>>, %arg10: memref<64x128xf32, #tpu.memory_space<vmem>>, %arg11: memref<64x128xf32, #tpu.memory_space<vmem>>, %arg12: memref<!tpu.dma_semaphore, #tpu.memory_space<semaphore_mem>>, %arg13: memref<!tpu.dma_semaphore, #tpu.memory_space<semaphore_mem>>, %arg14: memref<!tpu.dma_semaphore, #tpu.memory_space<semaphore_mem>>, %arg15: memref<!tpu.dma_semaphore, #tpu.memory_space<semaphore_mem>>) attributes {dimension_semantics = [#tpu.dimension_semantics<core_parallel>, #tpu.dimension_semantics<subcore_parallel>], iteration_bounds = array<i64: 2, 16>, scalar_prefetch = 0 : i64, scratch_operands = 10 : i64, tpu.core_type = #tpu.core_type<sc_vector_subcore>, window_params = [{transform_indices = #map}, {transform_indices = #map}, {transform_indices = #map}, {transform_indices = #map1}]} {
    %mul3A = arith.constant 2 : i32
    %mul3A_0 = arith.muli %arg1, %mul3A : i32
    %add3A = arith.addi %mul3A_0, %arg0 : i32
    %jit3A = arith.constant 8 : i32
    %eq3A = arith.constant 0 : i32
    %eq3A_1 = arith.cmpi eq, %jit3A, %eq3A : i32
    %jit3A_2 = arith.constant 1 : i32
    %select_n3A = arith.select %eq3A_1, %jit3A_2, %jit3A : i32
    %rem3A = arith.remsi %add3A, %select_n3A : i32
    %ne3A = arith.constant 0 : i32
    %ne3A_3 = arith.cmpi ne, %rem3A, %ne3A : i32
    %lt3A = arith.constant 0 : i32
    %lt3A_4 = arith.cmpi slt, %rem3A, %lt3A : i32
    %lt3A_5 = arith.constant 0 : i32
    %lt3A_6 = arith.cmpi slt, %select_n3A, %lt3A_5 : i32
    %ne3A_7 = arith.xori %lt3A_4, %lt3A_6 : i1
    %and3A = arith.andi %ne3A_7, %ne3A_3 : i1
    %add3A_8 = arith.addi %rem3A, %select_n3A : i32
    %select_n3A_9 = arith.select %and3A, %add3A_8, %rem3A : i32
    %jit3A_10 = arith.constant 8 : i32
    %div3A = arith.divsi %add3A, %jit3A_10 : i32
    %sign3A = arith.constant 0 : i32
    %sign3A_11 = arith.cmpi sgt, %add3A, %sign3A : i32
    %sign3A_12 = arith.extui %sign3A_11 : i1 to i32
    %sign3A_13 = arith.constant 0 : i32
    %sign3A_14 = arith.cmpi slt, %add3A, %sign3A_13 : i32
    %sign3A_15 = arith.extui %sign3A_14 : i1 to i32
    %sign3A_16 = arith.subi %sign3A_12, %sign3A_15 : i32
    %sign3A_17 = arith.constant 0 : i32
    %sign3A_18 = arith.cmpi sgt, %jit3A_10, %sign3A_17 : i32
    %sign3A_19 = arith.extui %sign3A_18 : i1 to i32
    %sign3A_20 = arith.constant 0 : i32
    %sign3A_21 = arith.cmpi slt, %jit3A_10, %sign3A_20 : i32
    %sign3A_22 = arith.extui %sign3A_21 : i1 to i32
    %sign3A_23 = arith.subi %sign3A_19, %sign3A_22 : i32
    %ne3A_24 = arith.cmpi ne, %sign3A_16, %sign3A_23 : i32
    %rem3A_25 = arith.remsi %add3A, %jit3A_10 : i32
    %ne3A_26 = arith.constant 0 : i32
    %ne3A_27 = arith.cmpi ne, %rem3A_25, %ne3A_26 : i32
    %and3A_28 = arith.andi %ne3A_24, %ne3A_27 : i1
    %sub3A = arith.constant 1 : i32
    %sub3A_29 = arith.subi %div3A, %sub3A : i32
    %select_n3A_30 = arith.select %and3A_28, %sub3A_29, %div3A : i32
    %mul3A_31 = arith.constant 128 : i32
    %mul3A_32 = arith.muli %select_n3A_9, %mul3A_31 : i32
    %mul3A_33 = arith.constant 50 : i32
    %mul3A_34 = arith.muli %select_n3A_30, %mul3A_33 : i32
    "tpu.region"() ({
      %run_scoped3A = tpu.sem_alloc : memref<!tpu.dma_semaphore, #tpu.memory_space<semaphore_mem>>
      %dma_start3A_65 = arith.constant 0 : i32
      %dma_start3A_66 = tpu.memref_slice %arg2[%dma_start3A_65, %mul3A_32] : memref<200x1024xi32, #tpu.memory_space<hbm>> -> memref<200x128xi32, #tpu.memory_space<hbm>>
      %dma_start3A_67 = arith.constant 0 : i32
      %dma_start3A_68 = tpu.memref_slice %arg2[%dma_start3A_67, %mul3A_32] : memref<200x1024xi32, #tpu.memory_space<hbm>> -> memref<200x128xi32, #tpu.memory_space<hbm>>
      tpu.enqueue_dma source(%dma_start3A_68 : memref<200x128xi32, #tpu.memory_space<hbm>>) target(%arg6 : memref<200x128xi32, #tpu.memory_space<vmem>>) target_semaphore(%run_scoped3A : memref<!tpu.dma_semaphore, #tpu.memory_space<semaphore_mem>>)
      %dma_wait3A_69 = arith.constant 0 : i32
      %dma_wait3A_70 = tpu.memref_slice %arg2[%dma_wait3A_69, %mul3A_32] : memref<200x1024xi32, #tpu.memory_space<hbm>> -> memref<200x128xi32, #tpu.memory_space<hbm>>
      %dma_wait3A_71 = arith.constant 0 : i32
      %dma_wait3A_72 = tpu.memref_slice %arg2[%dma_wait3A_71, %mul3A_32] : memref<200x1024xi32, #tpu.memory_space<hbm>> -> memref<200x128xi32, #tpu.memory_space<hbm>>
      tpu.wait_dma2 semaphore(%run_scoped3A : memref<!tpu.dma_semaphore, #tpu.memory_space<semaphore_mem>>) src(%dma_wait3A_72 : memref<200x128xi32, #tpu.memory_space<hbm>>) dst(%arg6 : memref<200x128xi32, #tpu.memory_space<vmem>>)
      tpu.yield
    }) : () -> ()
    "tpu.region"() ({
      %run_scoped3A = tpu.sem_alloc : memref<!tpu.dma_semaphore, #tpu.memory_space<semaphore_mem>>
      tpu.enqueue_dma source(%arg4 : memref<64x200xf32, #tpu.memory_space<hbm>>) target(%arg7 : memref<64x200xf32, #tpu.memory_space<vmem>>) target_semaphore(%run_scoped3A : memref<!tpu.dma_semaphore, #tpu.memory_space<semaphore_mem>>)
      tpu.wait_dma2 semaphore(%run_scoped3A : memref<!tpu.dma_semaphore, #tpu.memory_space<semaphore_mem>>) src(%arg4 : memref<64x200xf32, #tpu.memory_space<hbm>>) dst(%arg7 : memref<64x200xf32, #tpu.memory_space<vmem>>)
      tpu.yield
    }) : () -> ()
    %iota3A = tpu.iota {dimensions = array<i32: 0>} : vector<16xi32>
    %add3A_35 = arith.constant 0 : i32
    %add3A_36 = arith.addi %mul3A_34, %add3A_35 : i32
    %dma_start3A = arith.constant 0 : i32
    %dma_start3A_37 = arith.constant 0 : i32
    %dma_start3A_38 = tpu.memref_slice %arg8[%dma_start3A, %dma_start3A_37] : memref<128x129xf32, #tpu.memory_space<vmem>> -> memref<128x128xf32, #tpu.memory_space<vmem>>
    %dma_start3A_39 = arith.constant 0 : i32
    %dma_start3A_40 = tpu.memref_slice %arg6[%add3A_36, %dma_start3A_39] : memref<200x128xi32, #tpu.memory_space<vmem>> -> memref<1x128xi32, #tpu.memory_space<vmem>>
    %dma_start3A_41 = tpu.memref_squeeze %dma_start3A_40 : memref<1x128xi32, #tpu.memory_space<vmem>> -> memref<128xi32, #tpu.memory_space<vmem>>
    %dma_start3A_42 = arith.constant 0 : i32
    %dma_start3A_43 = arith.constant 0 : i32
    %dma_start3A_44 = tpu.memref_slice %arg3[%dma_start3A_42, %dma_start3A_43] : memref<1000000x128xf32, #tpu.memory_space<hbm>> -> memref<1000000x128xf32, #tpu.memory_space<hbm>>
    tpu.enqueue_indirect_dma source(%dma_start3A_44 : memref<1000000x128xf32, #tpu.memory_space<hbm>>) target(%dma_start3A_38 : memref<128x128xf32, #tpu.memory_space<vmem>>) offsets(%dma_start3A_41 : memref<128xi32, #tpu.memory_space<vmem>>) semaphore(%arg12 : memref<!tpu.dma_semaphore, #tpu.memory_space<semaphore_mem>>)
    %scan3A = arith.constant 0 : i32
    %scan3A_45 = arith.constant 0 : i32
    %scan3A_46 = arith.constant 25 : i32
    %scan3A_47 = arith.addi %scan3A_45, %scan3A_46 : i32
    %scan3A_48 = arith.constant 1 : i32
    scf.for %scan3A_65 = %scan3A_45 to %scan3A_47 step %scan3A_48  : i32 {
      %mul3A_66 = arith.constant 2 : i32
      %mul3A_67 = arith.muli %mul3A_66, %scan3A_65 : i32
      %add3A_68 = arith.constant 1 : i32
      %add3A_69 = arith.addi %mul3A_67, %add3A_68 : i32
      %lt3A_70 = arith.constant 50 : i32
      %lt3A_71 = arith.cmpi slt, %add3A_69, %lt3A_70 : i32
      %convert_element_type3A = arith.extui %lt3A_71 : i1 to i32
      %cond3A = arith.constant 0 : i32
      %cond3A_72 = arith.cmpi ne, %convert_element_type3A, %cond3A : i32
      scf.if %cond3A_72 {
        %add3A_183 = arith.constant 1 : i32
        %add3A_184 = arith.addi %mul3A_67, %add3A_183 : i32
        %add3A_185 = arith.addi %mul3A_34, %add3A_184 : i32
        %dma_start3A_186 = arith.constant 0 : i32
        %dma_start3A_187 = arith.constant 0 : i32
        %dma_start3A_188 = tpu.memref_slice %arg9[%dma_start3A_186, %dma_start3A_187] : memref<128x129xf32, #tpu.memory_space<vmem>> -> memref<128x128xf32, #tpu.memory_space<vmem>>
        %dma_start3A_189 = arith.constant 0 : i32
        %dma_start3A_190 = tpu.memref_slice %arg6[%add3A_185, %dma_start3A_189] : memref<200x128xi32, #tpu.memory_space<vmem>> -> memref<1x128xi32, #tpu.memory_space<vmem>>
        %dma_start3A_191 = tpu.memref_squeeze %dma_start3A_190 : memref<1x128xi32, #tpu.memory_space<vmem>> -> memref<128xi32, #tpu.memory_space<vmem>>
        %dma_start3A_192 = arith.constant 0 : i32
        %dma_start3A_193 = arith.constant 0 : i32
        %dma_start3A_194 = tpu.memref_slice %arg3[%dma_start3A_192, %dma_start3A_193] : memref<1000000x128xf32, #tpu.memory_space<hbm>> -> memref<1000000x128xf32, #tpu.memory_space<hbm>>
        tpu.enqueue_indirect_dma source(%dma_start3A_194 : memref<1000000x128xf32, #tpu.memory_space<hbm>>) target(%dma_start3A_188 : memref<128x128xf32, #tpu.memory_space<vmem>>) offsets(%dma_start3A_191 : memref<128xi32, #tpu.memory_space<vmem>>) semaphore(%arg13 : memref<!tpu.dma_semaphore, #tpu.memory_space<semaphore_mem>>)
      } else {
      }
      %add3A_73 = arith.addi %mul3A_34, %mul3A_67 : i32
      %dma_wait3A_74 = arith.constant 0 : i32
      %dma_wait3A_75 = arith.constant 0 : i32
      %dma_wait3A_76 = tpu.memref_slice %arg8[%dma_wait3A_74, %dma_wait3A_75] : memref<128x129xf32, #tpu.memory_space<vmem>> -> memref<128x128xf32, #tpu.memory_space<vmem>>
      %dma_wait3A_77 = arith.constant 0 : i32
      %dma_wait3A_78 = tpu.memref_slice %arg6[%add3A_73, %dma_wait3A_77] : memref<200x128xi32, #tpu.memory_space<vmem>> -> memref<1x128xi32, #tpu.memory_space<vmem>>
      %dma_wait3A_79 = tpu.memref_squeeze %dma_wait3A_78 : memref<1x128xi32, #tpu.memory_space<vmem>> -> memref<128xi32, #tpu.memory_space<vmem>>
      %dma_wait3A_80 = arith.constant 0 : i32
      %dma_wait3A_81 = arith.constant 0 : i32
      %dma_wait3A_82 = tpu.memref_slice %arg3[%dma_wait3A_80, %dma_wait3A_81] : memref<1000000x128xf32, #tpu.memory_space<hbm>> -> memref<1000000x128xf32, #tpu.memory_space<hbm>>
      tpu.wait_indirect_dma semaphore(%arg12 : memref<!tpu.dma_semaphore, #tpu.memory_space<semaphore_mem>>) src(%dma_wait3A_82 : memref<1000000x128xf32, #tpu.memory_space<hbm>>) dst(%dma_wait3A_76 : memref<128x128xf32, #tpu.memory_space<vmem>>)
      %ge3A = arith.constant 2 : i32
      %ge3A_83 = arith.cmpi sge, %mul3A_67, %ge3A : i32
      %convert_element_type3A_84 = arith.extui %ge3A_83 : i1 to i32
      %cond3A_85 = arith.constant 0 : i32
      %cond3A_86 = arith.cmpi ne, %convert_element_type3A_84, %cond3A_85 : i32
      scf.if %cond3A_86 {
        %sub3A_183 = arith.constant 2 : i32
        %sub3A_184 = arith.subi %mul3A_67, %sub3A_183 : i32
        %add3A_185 = arith.addi %mul3A_34, %sub3A_184 : i32
        %dma_wait3A_186 = arith.constant 0 : i32
        %dma_wait3A_187 = tpu.memref_slice %arg5[%add3A_185, %dma_wait3A_186, %mul3A_32] : memref<200x64x1024xf32, #tpu.memory_space<hbm>> -> memref<1x64x128xf32, #tpu.memory_space<hbm>>
        %dma_wait3A_188 = tpu.memref_squeeze %dma_wait3A_187 : memref<1x64x128xf32, #tpu.memory_space<hbm>> -> memref<64x128xf32, #tpu.memory_space<hbm>>
        %dma_wait3A_189 = arith.constant 0 : i32
        %dma_wait3A_190 = tpu.memref_slice %arg5[%add3A_185, %dma_wait3A_189, %mul3A_32] : memref<200x64x1024xf32, #tpu.memory_space<hbm>> -> memref<1x64x128xf32, #tpu.memory_space<hbm>>
        %dma_wait3A_191 = tpu.memref_squeeze %dma_wait3A_190 : memref<1x64x128xf32, #tpu.memory_space<hbm>> -> memref<64x128xf32, #tpu.memory_space<hbm>>
        tpu.wait_dma2 semaphore(%arg14 : memref<!tpu.dma_semaphore, #tpu.memory_space<semaphore_mem>>) src(%arg10 : memref<64x128xf32, #tpu.memory_space<vmem>>) dst(%dma_wait3A_191 : memref<64x128xf32, #tpu.memory_space<hbm>>)
      } else {
      }
      %add3A_87 = arith.addi %mul3A_34, %mul3A_67 : i32
      %add3A_88 = arith.constant 0 : i32
      %add3A_89 = vector.broadcast %add3A_88 : i32 to vector<16xi32>
      %add3A_90 = arith.addi %iota3A, %add3A_89 : vector<16xi32>
      %add3A_91 = arith.constant 16 : i32
      %add3A_92 = vector.broadcast %add3A_91 : i32 to vector<16xi32>
      %add3A_93 = arith.addi %iota3A, %add3A_92 : vector<16xi32>
      %add3A_94 = arith.constant 32 : i32
      %add3A_95 = vector.broadcast %add3A_94 : i32 to vector<16xi32>
      %add3A_96 = arith.addi %iota3A, %add3A_95 : vector<16xi32>
      %add3A_97 = arith.constant 48 : i32
      %add3A_98 = vector.broadcast %add3A_97 : i32 to vector<16xi32>
      %add3A_99 = arith.addi %iota3A, %add3A_98 : vector<16xi32>
      %add3A_100 = arith.constant 64 : i32
      %add3A_101 = vector.broadcast %add3A_100 : i32 to vector<16xi32>
      %add3A_102 = arith.addi %iota3A, %add3A_101 : vector<16xi32>
      %add3A_103 = arith.constant 80 : i32
      %add3A_104 = vector.broadcast %add3A_103 : i32 to vector<16xi32>
      %add3A_105 = arith.addi %iota3A, %add3A_104 : vector<16xi32>
      %add3A_106 = arith.constant 96 : i32
      %add3A_107 = vector.broadcast %add3A_106 : i32 to vector<16xi32>
      %add3A_108 = arith.addi %iota3A, %add3A_107 : vector<16xi32>
      %add3A_109 = arith.constant 112 : i32
      %add3A_110 = vector.broadcast %add3A_109 : i32 to vector<16xi32>
      %add3A_111 = arith.addi %iota3A, %add3A_110 : vector<16xi32>
      %broadcast_in_dim3A = vector.broadcast %add3A_87 : i32 to vector<16xi32>
      %parallel_loop3A = arith.constant 0 : i32
      %parallel_loop3A_112 = arith.constant 64 : i32
      %parallel_loop3A_113 = arith.constant 1 : i32
      scf.for %parallel_loop3A_183 = %parallel_loop3A to %parallel_loop3A_112 step %parallel_loop3A_113  : i32 {
        %parallel_loop3A_184 = vector.broadcast %parallel_loop3A_183 : i32 to vector<16xi32>
        %parallel_loop3A_185 = tpu.vector_load_idx %arg7[%parallel_loop3A_184, %broadcast_in_dim3A] : memref<64x200xf32, #tpu.memory_space<vmem>>[vector<16xi32>, vector<16xi32>], vector<16xf32>,
        %parallel_loop3A_186 = tpu.vector_load_idx %arg8[%add3A_90, %parallel_loop3A_184] : memref<128x129xf32, #tpu.memory_space<vmem>>[vector<16xi32>, vector<16xi32>], vector<16xf32>,
        %parallel_loop3A_187 = arith.addf %parallel_loop3A_186, %parallel_loop3A_185 : vector<16xf32>
        %parallel_loop3A_188 = arith.index_cast %parallel_loop3A_183 : i32 to index
        %parallel_loop3A_189 = arith.constant 0 : index
        %parallel_loop3A_190 = tpu.vector_load %arg10[%parallel_loop3A_188, %parallel_loop3A_189] {strides = array<i32>} : memref<64x128xf32, #tpu.memory_space<vmem>>, vector<16xf32>,
        tpu.vector_store %arg10[%parallel_loop3A_188, %parallel_loop3A_189], %parallel_loop3A_187 {strides = array<i32>} : memref<64x128xf32, #tpu.memory_space<vmem>>, vector<16xf32>,
        %parallel_loop3A_191 = tpu.vector_load_idx %arg8[%add3A_93, %parallel_loop3A_184] : memref<128x129xf32, #tpu.memory_space<vmem>>[vector<16xi32>, vector<16xi32>], vector<16xf32>,
        %parallel_loop3A_192 = arith.addf %parallel_loop3A_191, %parallel_loop3A_185 : vector<16xf32>
        %parallel_loop3A_193 = arith.index_cast %parallel_loop3A_183 : i32 to index
        %parallel_loop3A_194 = arith.constant 16 : index
        %parallel_loop3A_195 = tpu.vector_load %arg10[%parallel_loop3A_193, %parallel_loop3A_194] {strides = array<i32>} : memref<64x128xf32, #tpu.memory_space<vmem>>, vector<16xf32>,
        tpu.vector_store %arg10[%parallel_loop3A_193, %parallel_loop3A_194], %parallel_loop3A_192 {strides = array<i32>} : memref<64x128xf32, #tpu.memory_space<vmem>>, vector<16xf32>,
        %parallel_loop3A_196 = tpu.vector_load_idx %arg8[%add3A_96, %parallel_loop3A_184] : memref<128x129xf32, #tpu.memory_space<vmem>>[vector<16xi32>, vector<16xi32>], vector<16xf32>,
        %parallel_loop3A_197 = arith.addf %parallel_loop3A_196, %parallel_loop3A_185 : vector<16xf32>
        %parallel_loop3A_198 = arith.index_cast %parallel_loop3A_183 : i32 to index
        %parallel_loop3A_199 = arith.constant 32 : index
        %parallel_loop3A_200 = tpu.vector_load %arg10[%parallel_loop3A_198, %parallel_loop3A_199] {strides = array<i32>} : memref<64x128xf32, #tpu.memory_space<vmem>>, vector<16xf32>,
        tpu.vector_store %arg10[%parallel_loop3A_198, %parallel_loop3A_199], %parallel_loop3A_197 {strides = array<i32>} : memref<64x128xf32, #tpu.memory_space<vmem>>, vector<16xf32>,
        %parallel_loop3A_201 = tpu.vector_load_idx %arg8[%add3A_99, %parallel_loop3A_184] : memref<128x129xf32, #tpu.memory_space<vmem>>[vector<16xi32>, vector<16xi32>], vector<16xf32>,
        %parallel_loop3A_202 = arith.addf %parallel_loop3A_201, %parallel_loop3A_185 : vector<16xf32>
        %parallel_loop3A_203 = arith.index_cast %parallel_loop3A_183 : i32 to index
        %parallel_loop3A_204 = arith.constant 48 : index
        %parallel_loop3A_205 = tpu.vector_load %arg10[%parallel_loop3A_203, %parallel_loop3A_204] {strides = array<i32>} : memref<64x128xf32, #tpu.memory_space<vmem>>, vector<16xf32>,
        tpu.vector_store %arg10[%parallel_loop3A_203, %parallel_loop3A_204], %parallel_loop3A_202 {strides = array<i32>} : memref<64x128xf32, #tpu.memory_space<vmem>>, vector<16xf32>,
        %parallel_loop3A_206 = tpu.vector_load_idx %arg8[%add3A_102, %parallel_loop3A_184] : memref<128x129xf32, #tpu.memory_space<vmem>>[vector<16xi32>, vector<16xi32>], vector<16xf32>,
        %parallel_loop3A_207 = arith.addf %parallel_loop3A_206, %parallel_loop3A_185 : vector<16xf32>
        %parallel_loop3A_208 = arith.index_cast %parallel_loop3A_183 : i32 to index
        %parallel_loop3A_209 = arith.constant 64 : index
        %parallel_loop3A_210 = tpu.vector_load %arg10[%parallel_loop3A_208, %parallel_loop3A_209] {strides = array<i32>} : memref<64x128xf32, #tpu.memory_space<vmem>>, vector<16xf32>,
        tpu.vector_store %arg10[%parallel_loop3A_208, %parallel_loop3A_209], %parallel_loop3A_207 {strides = array<i32>} : memref<64x128xf32, #tpu.memory_space<vmem>>, vector<16xf32>,
        %parallel_loop3A_211 = tpu.vector_load_idx %arg8[%add3A_105, %parallel_loop3A_184] : memref<128x129xf32, #tpu.memory_space<vmem>>[vector<16xi32>, vector<16xi32>], vector<16xf32>,
        %parallel_loop3A_212 = arith.addf %parallel_loop3A_211, %parallel_loop3A_185 : vector<16xf32>
        %parallel_loop3A_213 = arith.index_cast %parallel_loop3A_183 : i32 to index
        %parallel_loop3A_214 = arith.constant 80 : index
        %parallel_loop3A_215 = tpu.vector_load %arg10[%parallel_loop3A_213, %parallel_loop3A_214] {strides = array<i32>} : memref<64x128xf32, #tpu.memory_space<vmem>>, vector<16xf32>,
        tpu.vector_store %arg10[%parallel_loop3A_213, %parallel_loop3A_214], %parallel_loop3A_212 {strides = array<i32>} : memref<64x128xf32, #tpu.memory_space<vmem>>, vector<16xf32>,
        %parallel_loop3A_216 = tpu.vector_load_idx %arg8[%add3A_108, %parallel_loop3A_184] : memref<128x129xf32, #tpu.memory_space<vmem>>[vector<16xi32>, vector<16xi32>], vector<16xf32>,
        %parallel_loop3A_217 = arith.addf %parallel_loop3A_216, %parallel_loop3A_185 : vector<16xf32>
        %parallel_loop3A_218 = arith.index_cast %parallel_loop3A_183 : i32 to index
        %parallel_loop3A_219 = arith.constant 96 : index
        %parallel_loop3A_220 = tpu.vector_load %arg10[%parallel_loop3A_218, %parallel_loop3A_219] {strides = array<i32>} : memref<64x128xf32, #tpu.memory_space<vmem>>, vector<16xf32>,
        tpu.vector_store %arg10[%parallel_loop3A_218, %parallel_loop3A_219], %parallel_loop3A_217 {strides = array<i32>} : memref<64x128xf32, #tpu.memory_space<vmem>>, vector<16xf32>,
        %parallel_loop3A_221 = tpu.vector_load_idx %arg8[%add3A_111, %parallel_loop3A_184] : memref<128x129xf32, #tpu.memory_space<vmem>>[vector<16xi32>, vector<16xi32>], vector<16xf32>,
        %parallel_loop3A_222 = arith.addf %parallel_loop3A_221, %parallel_loop3A_185 : vector<16xf32>
        %parallel_loop3A_223 = arith.index_cast %parallel_loop3A_183 : i32 to index
        %parallel_loop3A_224 = arith.constant 112 : index
        %parallel_loop3A_225 = tpu.vector_load %arg10[%parallel_loop3A_223, %parallel_loop3A_224] {strides = array<i32>} : memref<64x128xf32, #tpu.memory_space<vmem>>, vector<16xf32>,
        tpu.vector_store %arg10[%parallel_loop3A_223, %parallel_loop3A_224], %parallel_loop3A_222 {strides = array<i32>} : memref<64x128xf32, #tpu.memory_space<vmem>>, vector<16xf32>,
      } {sc.loop_unroll_factor = 2 : i64, sc.parallel_access}
      %add3A_114 = arith.addi %mul3A_34, %mul3A_67 : i32
      %dma_start3A_115 = arith.constant 0 : i32
      %dma_start3A_116 = tpu.memref_slice %arg5[%add3A_114, %dma_start3A_115, %mul3A_32] : memref<200x64x1024xf32, #tpu.memory_space<hbm>> -> memref<1x64x128xf32, #tpu.memory_space<hbm>>
      %dma_start3A_117 = tpu.memref_squeeze %dma_start3A_116 : memref<1x64x128xf32, #tpu.memory_space<hbm>> -> memref<64x128xf32, #tpu.memory_space<hbm>>
      %dma_start3A_118 = arith.constant 0 : i32
      %dma_start3A_119 = tpu.memref_slice %arg5[%add3A_114, %dma_start3A_118, %mul3A_32] : memref<200x64x1024xf32, #tpu.memory_space<hbm>> -> memref<1x64x128xf32, #tpu.memory_space<hbm>>
      %dma_start3A_120 = tpu.memref_squeeze %dma_start3A_119 : memref<1x64x128xf32, #tpu.memory_space<hbm>> -> memref<64x128xf32, #tpu.memory_space<hbm>>
      tpu.enqueue_dma source(%arg10 : memref<64x128xf32, #tpu.memory_space<vmem>>) target(%dma_start3A_120 : memref<64x128xf32, #tpu.memory_space<hbm>>) target_semaphore(%arg14 : memref<!tpu.dma_semaphore, #tpu.memory_space<semaphore_mem>>)
      %mul3A_121 = arith.constant 2 : i32
      %mul3A_122 = arith.muli %mul3A_121, %scan3A_65 : i32
      %add3A_123 = arith.constant 1 : i32
      %add3A_124 = arith.addi %mul3A_122, %add3A_123 : i32
      %add3A_125 = arith.constant 1 : i32
      %add3A_126 = arith.addi %add3A_124, %add3A_125 : i32
      %lt3A_127 = arith.constant 50 : i32
      %lt3A_128 = arith.cmpi slt, %add3A_126, %lt3A_127 : i32
      %convert_element_type3A_129 = arith.extui %lt3A_128 : i1 to i32
      %cond3A_130 = arith.constant 0 : i32
      %cond3A_131 = arith.cmpi ne, %convert_element_type3A_129, %cond3A_130 : i32
      scf.if %cond3A_131 {
        %add3A_183 = arith.constant 1 : i32
        %add3A_184 = arith.addi %add3A_124, %add3A_183 : i32
        %add3A_185 = arith.addi %mul3A_34, %add3A_184 : i32
        %dma_start3A_186 = arith.constant 0 : i32
        %dma_start3A_187 = arith.constant 0 : i32
        %dma_start3A_188 = tpu.memref_slice %arg8[%dma_start3A_186, %dma_start3A_187] : memref<128x129xf32, #tpu.memory_space<vmem>> -> memref<128x128xf32, #tpu.memory_space<vmem>>
        %dma_start3A_189 = arith.constant 0 : i32
        %dma_start3A_190 = tpu.memref_slice %arg6[%add3A_185, %dma_start3A_189] : memref<200x128xi32, #tpu.memory_space<vmem>> -> memref<1x128xi32, #tpu.memory_space<vmem>>
        %dma_start3A_191 = tpu.memref_squeeze %dma_start3A_190 : memref<1x128xi32, #tpu.memory_space<vmem>> -> memref<128xi32, #tpu.memory_space<vmem>>
        %dma_start3A_192 = arith.constant 0 : i32
        %dma_start3A_193 = arith.constant 0 : i32
        %dma_start3A_194 = tpu.memref_slice %arg3[%dma_start3A_192, %dma_start3A_193] : memref<1000000x128xf32, #tpu.memory_space<hbm>> -> memref<1000000x128xf32, #tpu.memory_space<hbm>>
        tpu.enqueue_indirect_dma source(%dma_start3A_194 : memref<1000000x128xf32, #tpu.memory_space<hbm>>) target(%dma_start3A_188 : memref<128x128xf32, #tpu.memory_space<vmem>>) offsets(%dma_start3A_191 : memref<128xi32, #tpu.memory_space<vmem>>) semaphore(%arg12 : memref<!tpu.dma_semaphore, #tpu.memory_space<semaphore_mem>>)
      } else {
      }
      %add3A_132 = arith.addi %mul3A_34, %add3A_124 : i32
      %dma_wait3A_133 = arith.constant 0 : i32
      %dma_wait3A_134 = arith.constant 0 : i32
      %dma_wait3A_135 = tpu.memref_slice %arg9[%dma_wait3A_133, %dma_wait3A_134] : memref<128x129xf32, #tpu.memory_space<vmem>> -> memref<128x128xf32, #tpu.memory_space<vmem>>
      %dma_wait3A_136 = arith.constant 0 : i32
      %dma_wait3A_137 = tpu.memref_slice %arg6[%add3A_132, %dma_wait3A_136] : memref<200x128xi32, #tpu.memory_space<vmem>> -> memref<1x128xi32, #tpu.memory_space<vmem>>
      %dma_wait3A_138 = tpu.memref_squeeze %dma_wait3A_137 : memref<1x128xi32, #tpu.memory_space<vmem>> -> memref<128xi32, #tpu.memory_space<vmem>>
      %dma_wait3A_139 = arith.constant 0 : i32
      %dma_wait3A_140 = arith.constant 0 : i32
      %dma_wait3A_141 = tpu.memref_slice %arg3[%dma_wait3A_139, %dma_wait3A_140] : memref<1000000x128xf32, #tpu.memory_space<hbm>> -> memref<1000000x128xf32, #tpu.memory_space<hbm>>
      tpu.wait_indirect_dma semaphore(%arg13 : memref<!tpu.dma_semaphore, #tpu.memory_space<semaphore_mem>>) src(%dma_wait3A_141 : memref<1000000x128xf32, #tpu.memory_space<hbm>>) dst(%dma_wait3A_135 : memref<128x128xf32, #tpu.memory_space<vmem>>)
      %ge3A_142 = arith.constant 2 : i32
      %ge3A_143 = arith.cmpi sge, %add3A_124, %ge3A_142 : i32
      %convert_element_type3A_144 = arith.extui %ge3A_143 : i1 to i32
      %cond3A_145 = arith.constant 0 : i32
      %cond3A_146 = arith.cmpi ne, %convert_element_type3A_144, %cond3A_145 : i32
      scf.if %cond3A_146 {
        %sub3A_183 = arith.constant 2 : i32
        %sub3A_184 = arith.subi %add3A_124, %sub3A_183 : i32
        %add3A_185 = arith.addi %mul3A_34, %sub3A_184 : i32
        %dma_wait3A_186 = arith.constant 0 : i32
        %dma_wait3A_187 = tpu.memref_slice %arg5[%add3A_185, %dma_wait3A_186, %mul3A_32] : memref<200x64x1024xf32, #tpu.memory_space<hbm>> -> memref<1x64x128xf32, #tpu.memory_space<hbm>>
        %dma_wait3A_188 = tpu.memref_squeeze %dma_wait3A_187 : memref<1x64x128xf32, #tpu.memory_space<hbm>> -> memref<64x128xf32, #tpu.memory_space<hbm>>
        %dma_wait3A_189 = arith.constant 0 : i32
        %dma_wait3A_190 = tpu.memref_slice %arg5[%add3A_185, %dma_wait3A_189, %mul3A_32] : memref<200x64x1024xf32, #tpu.memory_space<hbm>> -> memref<1x64x128xf32, #tpu.memory_space<hbm>>
        %dma_wait3A_191 = tpu.memref_squeeze %dma_wait3A_190 : memref<1x64x128xf32, #tpu.memory_space<hbm>> -> memref<64x128xf32, #tpu.memory_space<hbm>>
        tpu.wait_dma2 semaphore(%arg15 : memref<!tpu.dma_semaphore, #tpu.memory_space<semaphore_mem>>) src(%arg11 : memref<64x128xf32, #tpu.memory_space<vmem>>) dst(%dma_wait3A_191 : memref<64x128xf32, #tpu.memory_space<hbm>>)
      } else {
      }
      %add3A_147 = arith.addi %mul3A_34, %add3A_124 : i32
      %add3A_148 = arith.constant 0 : i32
      %add3A_149 = vector.broadcast %add3A_148 : i32 to vector<16xi32>
      %add3A_150 = arith.addi %iota3A, %add3A_149 : vector<16xi32>
      %add3A_151 = arith.constant 16 : i32
      %add3A_152 = vector.broadcast %add3A_151 : i32 to vector<16xi32>
      %add3A_153 = arith.addi %iota3A, %add3A_152 : vector<16xi32>
      %add3A_154 = arith.constant 32 : i32
      %add3A_155 = vector.broadcast %add3A_154 : i32 to vector<16xi32>
      %add3A_156 = arith.addi %iota3A, %add3A_155 : vector<16xi32>
      %add3A_157 = arith.constant 48 : i32
      %add3A_158 = vector.broadcast %add3A_157 : i32 to vector<16xi32>
      %add3A_159 = arith.addi %iota3A, %add3A_158 : vector<16xi32>
      %add3A_160 = arith.constant 64 : i32
      %add3A_161 = vector.broadcast %add3A_160 : i32 to vector<16xi32>
      %add3A_162 = arith.addi %iota3A, %add3A_161 : vector<16xi32>
      %add3A_163 = arith.constant 80 : i32
      %add3A_164 = vector.broadcast %add3A_163 : i32 to vector<16xi32>
      %add3A_165 = arith.addi %iota3A, %add3A_164 : vector<16xi32>
      %add3A_166 = arith.constant 96 : i32
      %add3A_167 = vector.broadcast %add3A_166 : i32 to vector<16xi32>
      %add3A_168 = arith.addi %iota3A, %add3A_167 : vector<16xi32>
      %add3A_169 = arith.constant 112 : i32
      %add3A_170 = vector.broadcast %add3A_169 : i32 to vector<16xi32>
      %add3A_171 = arith.addi %iota3A, %add3A_170 : vector<16xi32>
      %broadcast_in_dim3A_172 = vector.broadcast %add3A_147 : i32 to vector<16xi32>
      %parallel_loop3A_173 = arith.constant 0 : i32
      %parallel_loop3A_174 = arith.constant 64 : i32
      %parallel_loop3A_175 = arith.constant 1 : i32
      scf.for %parallel_loop3A_183 = %parallel_loop3A_173 to %parallel_loop3A_174 step %parallel_loop3A_175  : i32 {
        %parallel_loop3A_184 = vector.broadcast %parallel_loop3A_183 : i32 to vector<16xi32>
        %parallel_loop3A_185 = tpu.vector_load_idx %arg7[%parallel_loop3A_184, %broadcast_in_dim3A_172] : memref<64x200xf32, #tpu.memory_space<vmem>>[vector<16xi32>, vector<16xi32>], vector<16xf32>,
        %parallel_loop3A_186 = tpu.vector_load_idx %arg9[%add3A_150, %parallel_loop3A_184] : memref<128x129xf32, #tpu.memory_space<vmem>>[vector<16xi32>, vector<16xi32>], vector<16xf32>,
        %parallel_loop3A_187 = arith.addf %parallel_loop3A_186, %parallel_loop3A_185 : vector<16xf32>
        %parallel_loop3A_188 = arith.index_cast %parallel_loop3A_183 : i32 to index
        %parallel_loop3A_189 = arith.constant 0 : index
        %parallel_loop3A_190 = tpu.vector_load %arg11[%parallel_loop3A_188, %parallel_loop3A_189] {strides = array<i32>} : memref<64x128xf32, #tpu.memory_space<vmem>>, vector<16xf32>,
        tpu.vector_store %arg11[%parallel_loop3A_188, %parallel_loop3A_189], %parallel_loop3A_187 {strides = array<i32>} : memref<64x128xf32, #tpu.memory_space<vmem>>, vector<16xf32>,
        %parallel_loop3A_191 = tpu.vector_load_idx %arg9[%add3A_153, %parallel_loop3A_184] : memref<128x129xf32, #tpu.memory_space<vmem>>[vector<16xi32>, vector<16xi32>], vector<16xf32>,
        %parallel_loop3A_192 = arith.addf %parallel_loop3A_191, %parallel_loop3A_185 : vector<16xf32>
        %parallel_loop3A_193 = arith.index_cast %parallel_loop3A_183 : i32 to index
        %parallel_loop3A_194 = arith.constant 16 : index
        %parallel_loop3A_195 = tpu.vector_load %arg11[%parallel_loop3A_193, %parallel_loop3A_194] {strides = array<i32>} : memref<64x128xf32, #tpu.memory_space<vmem>>, vector<16xf32>,
        tpu.vector_store %arg11[%parallel_loop3A_193, %parallel_loop3A_194], %parallel_loop3A_192 {strides = array<i32>} : memref<64x128xf32, #tpu.memory_space<vmem>>, vector<16xf32>,
        %parallel_loop3A_196 = tpu.vector_load_idx %arg9[%add3A_156, %parallel_loop3A_184] : memref<128x129xf32, #tpu.memory_space<vmem>>[vector<16xi32>, vector<16xi32>], vector<16xf32>,
        %parallel_loop3A_197 = arith.addf %parallel_loop3A_196, %parallel_loop3A_185 : vector<16xf32>
        %parallel_loop3A_198 = arith.index_cast %parallel_loop3A_183 : i32 to index
        %parallel_loop3A_199 = arith.constant 32 : index
        %parallel_loop3A_200 = tpu.vector_load %arg11[%parallel_loop3A_198, %parallel_loop3A_199] {strides = array<i32>} : memref<64x128xf32, #tpu.memory_space<vmem>>, vector<16xf32>,
        tpu.vector_store %arg11[%parallel_loop3A_198, %parallel_loop3A_199], %parallel_loop3A_197 {strides = array<i32>} : memref<64x128xf32, #tpu.memory_space<vmem>>, vector<16xf32>,
        %parallel_loop3A_201 = tpu.vector_load_idx %arg9[%add3A_159, %parallel_loop3A_184] : memref<128x129xf32, #tpu.memory_space<vmem>>[vector<16xi32>, vector<16xi32>], vector<16xf32>,
        %parallel_loop3A_202 = arith.addf %parallel_loop3A_201, %parallel_loop3A_185 : vector<16xf32>
        %parallel_loop3A_203 = arith.index_cast %parallel_loop3A_183 : i32 to index
        %parallel_loop3A_204 = arith.constant 48 : index
        %parallel_loop3A_205 = tpu.vector_load %arg11[%parallel_loop3A_203, %parallel_loop3A_204] {strides = array<i32>} : memref<64x128xf32, #tpu.memory_space<vmem>>, vector<16xf32>,
        tpu.vector_store %arg11[%parallel_loop3A_203, %parallel_loop3A_204], %parallel_loop3A_202 {strides = array<i32>} : memref<64x128xf32, #tpu.memory_space<vmem>>, vector<16xf32>,
        %parallel_loop3A_206 = tpu.vector_load_idx %arg9[%add3A_162, %parallel_loop3A_184] : memref<128x129xf32, #tpu.memory_space<vmem>>[vector<16xi32>, vector<16xi32>], vector<16xf32>,
        %parallel_loop3A_207 = arith.addf %parallel_loop3A_206, %parallel_loop3A_185 : vector<16xf32>
        %parallel_loop3A_208 = arith.index_cast %parallel_loop3A_183 : i32 to index
        %parallel_loop3A_209 = arith.constant 64 : index
        %parallel_loop3A_210 = tpu.vector_load %arg11[%parallel_loop3A_208, %parallel_loop3A_209] {strides = array<i32>} : memref<64x128xf32, #tpu.memory_space<vmem>>, vector<16xf32>,
        tpu.vector_store %arg11[%parallel_loop3A_208, %parallel_loop3A_209], %parallel_loop3A_207 {strides = array<i32>} : memref<64x128xf32, #tpu.memory_space<vmem>>, vector<16xf32>,
        %parallel_loop3A_211 = tpu.vector_load_idx %arg9[%add3A_165, %parallel_loop3A_184] : memref<128x129xf32, #tpu.memory_space<vmem>>[vector<16xi32>, vector<16xi32>], vector<16xf32>,
        %parallel_loop3A_212 = arith.addf %parallel_loop3A_211, %parallel_loop3A_185 : vector<16xf32>
        %parallel_loop3A_213 = arith.index_cast %parallel_loop3A_183 : i32 to index
        %parallel_loop3A_214 = arith.constant 80 : index
        %parallel_loop3A_215 = tpu.vector_load %arg11[%parallel_loop3A_213, %parallel_loop3A_214] {strides = array<i32>} : memref<64x128xf32, #tpu.memory_space<vmem>>, vector<16xf32>,
        tpu.vector_store %arg11[%parallel_loop3A_213, %parallel_loop3A_214], %parallel_loop3A_212 {strides = array<i32>} : memref<64x128xf32, #tpu.memory_space<vmem>>, vector<16xf32>,
        %parallel_loop3A_216 = tpu.vector_load_idx %arg9[%add3A_168, %parallel_loop3A_184] : memref<128x129xf32, #tpu.memory_space<vmem>>[vector<16xi32>, vector<16xi32>], vector<16xf32>,
        %parallel_loop3A_217 = arith.addf %parallel_loop3A_216, %parallel_loop3A_185 : vector<16xf32>
        %parallel_loop3A_218 = arith.index_cast %parallel_loop3A_183 : i32 to index
        %parallel_loop3A_219 = arith.constant 96 : index
        %parallel_loop3A_220 = tpu.vector_load %arg11[%parallel_loop3A_218, %parallel_loop3A_219] {strides = array<i32>} : memref<64x128xf32, #tpu.memory_space<vmem>>, vector<16xf32>,
        tpu.vector_store %arg11[%parallel_loop3A_218, %parallel_loop3A_219], %parallel_loop3A_217 {strides = array<i32>} : memref<64x128xf32, #tpu.memory_space<vmem>>, vector<16xf32>,
        %parallel_loop3A_221 = tpu.vector_load_idx %arg9[%add3A_171, %parallel_loop3A_184] : memref<128x129xf32, #tpu.memory_space<vmem>>[vector<16xi32>, vector<16xi32>], vector<16xf32>,
        %parallel_loop3A_222 = arith.addf %parallel_loop3A_221, %parallel_loop3A_185 : vector<16xf32>
        %parallel_loop3A_223 = arith.index_cast %parallel_loop3A_183 : i32 to index
        %parallel_loop3A_224 = arith.constant 112 : index
        %parallel_loop3A_225 = tpu.vector_load %arg11[%parallel_loop3A_223, %parallel_loop3A_224] {strides = array<i32>} : memref<64x128xf32, #tpu.memory_space<vmem>>, vector<16xf32>,
        tpu.vector_store %arg11[%parallel_loop3A_223, %parallel_loop3A_224], %parallel_loop3A_222 {strides = array<i32>} : memref<64x128xf32, #tpu.memory_space<vmem>>, vector<16xf32>,
      } {sc.loop_unroll_factor = 2 : i64, sc.parallel_access}
      %add3A_176 = arith.addi %mul3A_34, %add3A_124 : i32
      %dma_start3A_177 = arith.constant 0 : i32
      %dma_start3A_178 = tpu.memref_slice %arg5[%add3A_176, %dma_start3A_177, %mul3A_32] : memref<200x64x1024xf32, #tpu.memory_space<hbm>> -> memref<1x64x128xf32, #tpu.memory_space<hbm>>
      %dma_start3A_179 = tpu.memref_squeeze %dma_start3A_178 : memref<1x64x128xf32, #tpu.memory_space<hbm>> -> memref<64x128xf32, #tpu.memory_space<hbm>>
      %dma_start3A_180 = arith.constant 0 : i32
      %dma_start3A_181 = tpu.memref_slice %arg5[%add3A_176, %dma_start3A_180, %mul3A_32] : memref<200x64x1024xf32, #tpu.memory_space<hbm>> -> memref<1x64x128xf32, #tpu.memory_space<hbm>>
      %dma_start3A_182 = tpu.memref_squeeze %dma_start3A_181 : memref<1x64x128xf32, #tpu.memory_space<hbm>> -> memref<64x128xf32, #tpu.memory_space<hbm>>
      tpu.enqueue_dma source(%arg11 : memref<64x128xf32, #tpu.memory_space<vmem>>) target(%dma_start3A_182 : memref<64x128xf32, #tpu.memory_space<hbm>>) target_semaphore(%arg15 : memref<!tpu.dma_semaphore, #tpu.memory_space<semaphore_mem>>)
    }
    %scan3A_49 = arith.constant 25 : i32
    %add3A_50 = arith.constant 48 : i32
    %add3A_51 = arith.addi %mul3A_34, %add3A_50 : i32
    %dma_wait3A = arith.constant 0 : i32
    %dma_wait3A_52 = tpu.memref_slice %arg5[%add3A_51, %dma_wait3A, %mul3A_32] : memref<200x64x1024xf32, #tpu.memory_space<hbm>> -> memref<1x64x128xf32, #tpu.memory_space<hbm>>
    %dma_wait3A_53 = tpu.memref_squeeze %dma_wait3A_52 : memref<1x64x128xf32, #tpu.memory_space<hbm>> -> memref<64x128xf32, #tpu.memory_space<hbm>>
    %dma_wait3A_54 = arith.constant 0 : i32
    %dma_wait3A_55 = tpu.memref_slice %arg5[%add3A_51, %dma_wait3A_54, %mul3A_32] : memref<200x64x1024xf32, #tpu.memory_space<hbm>> -> memref<1x64x128xf32, #tpu.memory_space<hbm>>
    %dma_wait3A_56 = tpu.memref_squeeze %dma_wait3A_55 : memref<1x64x128xf32, #tpu.memory_space<hbm>> -> memref<64x128xf32, #tpu.memory_space<hbm>>
    tpu.wait_dma2 semaphore(%arg14 : memref<!tpu.dma_semaphore, #tpu.memory_space<semaphore_mem>>) src(%arg10 : memref<64x128xf32, #tpu.memory_space<vmem>>) dst(%dma_wait3A_56 : memref<64x128xf32, #tpu.memory_space<hbm>>)
    %add3A_57 = arith.constant 49 : i32
    %add3A_58 = arith.addi %mul3A_34, %add3A_57 : i32
    %dma_wait3A_59 = arith.constant 0 : i32
    %dma_wait3A_60 = tpu.memref_slice %arg5[%add3A_58, %dma_wait3A_59, %mul3A_32] : memref<200x64x1024xf32, #tpu.memory_space<hbm>> -> memref<1x64x128xf32, #tpu.memory_space<hbm>>
    %dma_wait3A_61 = tpu.memref_squeeze %dma_wait3A_60 : memref<1x64x128xf32, #tpu.memory_space<hbm>> -> memref<64x128xf32, #tpu.memory_space<hbm>>
    %dma_wait3A_62 = arith.constant 0 : i32
    %dma_wait3A_63 = tpu.memref_slice %arg5[%add3A_58, %dma_wait3A_62, %mul3A_32] : memref<200x64x1024xf32, #tpu.memory_space<hbm>> -> memref<1x64x128xf32, #tpu.memory_space<hbm>>
    %dma_wait3A_64 = tpu.memref_squeeze %dma_wait3A_63 : memref<1x64x128xf32, #tpu.memory_space<hbm>> -> memref<64x128xf32, #tpu.memory_space<hbm>>
    tpu.wait_dma2 semaphore(%arg15 : memref<!tpu.dma_semaphore, #tpu.memory_space<semaphore_mem>>) src(%arg11 : memref<64x128xf32, #tpu.memory_space<vmem>>) dst(%dma_wait3A_64 : memref<64x128xf32, #tpu.memory_space<hbm>>)
    return
  }
}

</mosaic_0001>

<sc_bundles>
// kernel: kernel.3.cloned.1.call-start
scs
__scs_entry_jumppad:
0x0: {  	(pc) =	sbr.rel $0x88, $3  }
0x1: {  	(tag) =	ssettag $0x0;
	lr =	simm.s32 $0x1  }
0x2: {  	[smem:$0x3F9E] =	sst lr;
	_ =	strace $0xD0000000  }
0x3: {  	_ = 	snop  }
0x4: {  	_ = 	snop  }
0x5: {  	_ = 	snop  }
0x6: {  	_ = 	snop  }
0x7: {  	_ = 	snop  }
__scs_overlays_trampoline_lowered:
0x8: {  	[smem:$0x3FAD] =	sst s0  }
0x9: {  	[smem:$0x3FAE] =	sst s1  }
0xa: {  	[smem:$0x3FAF] =	sst s2  }
0xb: {  	[smem:$0x3FB0] =	sst s3  }
0xc: {  	[smem:$0x3FB1] =	sst s4  }
0xd: {  	[smem:$0x3FB2] =	sst s5  }
0xe: {  	[smem:$0x3FB3] =	sst s6  }
0xf: {  	[smem:$0x3FB4] =	sst s7  }
0x10: {  	[smem:$0x3FB5] =	sst s8  }
0x11: {  	[smem:$0x3FB6] =	sst s9;
	s0 =	simm.s32 @!p0 $0x0  }
0x12: {  	s1 =	sld [smem:$0x3F9C];
	s0 =	simm.s32 @p0 $0x1  }
0x13: {  	[smem:$0x3FB7] =	sst s0;
	s0 =	simm.s32 @!p1 $0x0  }
0x14: {  	s2 =	sld [smem:$0x3F9B];
	s0 =	simm.s32 @p1 $0x1  }
0x15: {  	[smem:$0x3FB8] =	sst s0;
	s0 =	simm.s32 @!p2 $0x0  }
0x16: {  	s3 =	sld [smem:$0x3FDB];
	s0 =	simm.s32 @p2 $0x1  }
0x17: {  	s4 =	simm.s32 $0x1BF5;
	[smem:$0x3FBA] =	sst s0  }
0x18: {  	s0 =	sld [smem:$0x3F9D];
	_ =	swait.ge [sflag:s4], $0x0  }
0x19: {  	s7 =	sld [smem:$0x3F9E]  }
0x1a: {  	s8 =	sadd.s32 $0xFFFFE003, lr  }
0x1b: {  	s9 =	sadd.s32 $0xFFFFFEF7, lr;
	s5 =	simm.s32 $0xFFFFFFFF;
	p2 =	slt.u32 s8, $0xFFFFF086  }
0x1c: {  	p1 =	slt.u32 s9, $0xF7A;
	s5 =	simm.s32 @!p2 $0x0  }
0x1d: {  	s5 =	simm.s32 @p1 $0x1;
	p0 =	seq.s32 s7, s2  }
0x1e: {  	s7 =	smul.u32 @!p0 $0xF7A, s2;
	p2 =	seq.s32 @!p0 s5, $0x0  }
0x1f: {  	s9 =	smul.u32 $0xF7A, s1;
	s8 =	simm.s32 @!p0 $0x1BF5;
	p2 =	por !p2, p0  }
0x20: {  	[sflag:s8] =	ssyncset.s32 @!p0 $0xFFFFF086;
	s6 =	sadd.s32 @!p0 s3, s7;
	s7 =	simm.s32 @!p0 $0x108  }
0x21: {  	s3 =	sadd.s32 s3, s9;
	s6 =	sadd.s32 @!p0 $0x88, s6;
	s7 =	simm.s32 @p2 $0x1082  }
0x22: {  	[simem:s7], [sflag:s8] =	dma.local @!p0 [hbm:s6], $0xF7A  }
0x23: {  	s9 =	sor.u32 $0xD0000000, s2;
	s6 =	simm.s32 $0x108;
	_ =	swait.ge @!p0 [sflag:s8], $0x0  }
0x24: {  	s3 =	sadd.s32 $0x88, s3;
	s6 =	simm.s32 @!p1 $0x1082;
	[sflag:s4] =	ssyncset.s32 $0xFFFFF086  }
0x25: {  	[simem:s6], [sflag:s4] =	dma.local [hbm:s3], $0xF7A  }
0x26: {  	[smem:$0x3F9E] =	sst s1;
	(tag) =	ssettag s2;
	_ =	strace s9  }
0x27: {  	s1 =	sld [smem:$0x3FAE]  }
0x28: {  	s2 =	sld [smem:$0x3FAF]  }
0x29: {  	s4 =	sld [smem:$0x3FB1]  }
0x2a: {  	p0 =	seq.s32 s5, $0x0;
	s5 =	sld [smem:$0x3FB2]  }
0x2b: {  	s6 =	sld [smem:$0x3FB3]  }
0x2c: {  	s7 =	sld [smem:$0x3FB4]  }
0x2d: {  	s3 =	simm.s32 $0x108;
	s8 =	sld [smem:$0x3FB5]  }
0x2e: {  	s3 =	simm.s32 @!p0 $0x1082;
	s9 =	sld [smem:$0x3FB6]  }
0x2f: {  	lr =	sadd.s32 s0, s3;
	s0 =	sld [smem:$0x3FAD]  }
0x30: {  	s3 =	sld [smem:$0x3FB0]  }
0x31: {  	[smem:$0x3FB9] =	sst s10  }
0x32: {  	s10 =	sld [smem:$0x3FB7];
	_ =	sdelay $0x3  }
0x33: {  	p0 =	seq.s32 s10, $0x1;
	s10 =	sld [smem:$0x3FB9];
	_ =	sdelay $0x3  }
0x34: {  	[smem:$0x3FB9] =	sst s10  }
0x35: {  	s10 =	sld [smem:$0x3FB8];
	_ =	sdelay $0x3  }
0x36: {  	p1 =	seq.s32 s10, $0x1;
	s10 =	sld [smem:$0x3FB9];
	_ =	sdelay $0x3  }
0x37: {  	[smem:$0x3FB9] =	sst s10  }
0x38: {  	s10 =	sld [smem:$0x3FBA]  }
0x39: {  	_ = 	snop;
	(pc) =	sbr.ind lr, $3  }
0x3a: {  	_ = 	snop  }
0x3b: {  	_ = 	snop  }
0x3c: {  	p2 =	seq.s32 s10, $0x1;
	s10 =	sld [smem:$0x3FB9]  }
0x3d: {  	_ =	shalt  }
0x3e: {  	_ =	shalt  }
0x3f: {  	_ =	shalt  }
0x40: {  	_ =	shalt  }
0x41: {  	_ =	shalt  }
0x42: {  	_ =	shalt  }
0x43: {  	_ =	shalt  }
0x44: {  	_ =	shalt  }
0x45: {  	_ =	shalt  }
0x46: {  	_ =	shalt  }
0x47: {  	_ =	shalt  }
0x48: {  	_ =	shalt  }
0x49: {  	_ =	shalt  }
0x4a: {  	_ =	shalt  }
0x4b: {  	_ =	shalt  }
0x4c: {  	_ =	shalt  }
0x4d: {  	_ =	shalt  }
0x4e: {  	_ =	shalt  }
0x4f: {  	_ =	shalt  }
0x50: {  	_ =	shalt  }
0x51: {  	_ =	shalt  }
0x52: {  	_ =	shalt  }
0x53: {  	_ =	shalt  }
0x54: {  	_ =	shalt  }
0x55: {  	_ =	shalt  }
0x56: {  	_ =	shalt  }
0x57: {  	_ =	shalt  }
0x58: {  	_ =	shalt  }
0x59: {  	_ =	shalt  }
0x5a: {  	_ =	shalt  }
0x5b: {  	_ =	shalt  }
0x5c: {  	_ =	shalt  }
0x5d: {  	_ =	shalt  }
0x5e: {  	_ =	shalt  }
0x5f: {  	_ =	shalt  }
0x60: {  	_ =	shalt  }
0x61: {  	_ =	shalt  }
0x62: {  	_ =	shalt  }
0x63: {  	_ =	shalt  }
0x64: {  	_ =	shalt  }
0x65: {  	_ =	shalt  }
0x66: {  	_ =	shalt  }
0x67: {  	_ =	shalt  }
0x68: {  	_ =	shalt  }
0x69: {  	_ =	shalt  }
0x6a: {  	_ =	shalt  }
0x6b: {  	_ =	shalt  }
0x6c: {  	_ =	shalt  }
0x6d: {  	_ =	shalt  }
0x6e: {  	_ =	shalt  }
0x6f: {  	_ =	shalt  }
0x70: {  	_ =	shalt  }
0x71: {  	_ =	shalt  }
0x72: {  	_ =	shalt  }
0x73: {  	_ =	shalt  }
0x74: {  	_ =	shalt  }
0x75: {  	_ =	shalt  }
0x76: {  	_ =	shalt  }
0x77: {  	_ =	shalt  }
0x78: {  	_ =	shalt  }
0x79: {  	_ =	shalt  }
0x7a: {  	_ =	shalt  }
0x7b: {  	_ =	shalt  }
0x7c: {  	_ =	shalt  }
0x7d: {  	_ =	shalt  }
0x7e: {  	_ =	shalt  }
0x7f: {  	_ =	shalt  }
0x80: {  	_ =	shalt  }
0x81: {  	_ =	shalt  }
0x82: {  	_ =	shalt  }
0x83: {  	_ =	shalt  }
0x84: {  	_ =	shalt  }
0x85: {  	_ =	shalt  }
0x86: {  	_ =	shalt  }
0x87: {  	_ =	shalt  }
.Lfunc_end0:
.L_simem_size_0:
called_computation_lowered:
.L_overlay_start_0:
0x88: {  	s2 =	sld [smem:$0x3FD9]  }
0x89: {  	s3 =	sld [smem:$0x3FFE];
	_ =	sdelay $0x1  }
0x8a: {  	s1 =	srdreg.scid  }
0x8b: {  	s0 =	sand.u32 $0x1, s1  }
0x8c: {  	s17 =	sshll.u32 s0, $0xA;
	s2 =	sadd.s32 s3, s2  }
0x8d: {  	s2 =	sadd.s32 s2, s17  }
0x8e: {  	[smem:$0x3FC5] =	sst s2  }
0x8f: {  	_ = 	snop  }
0x90: {  	s2 =	sld [smem:$0x3FC9]  }
0x91: {  	s18 =	sld [smem:$0x3FC7]  }
0x92: {  	s4 =	sld [smem:$0x3FD0];
	(tm) =	ssettm $0x1  }
0x93: {  	s5 =	sld [smem:$0x3FFB];
	_ =	sdelay $0x3  }
0x94: {  	_ =	strace s5  }
0x95: {  	s5 =	sld [smem:$0x3FFC];
	_ =	sdelay $0x3  }
0x96: {  	_ =	strace s5  }
0x97: {  	s5 =	sld [smem:$0x3FFD];
	_ =	sdelay $0x3  }
0x98: {  	_ =	strace s5  }
0x99: {  	_ =	strace $0x8FFFFFFF  }
0x9a: {  	s19 =	sld [smem:$0x3FDB];
	_ =	sdelay $0x1  }
0x9b: {  	s6 =	simm.s32 $_scs_section_size  }
0x9c: {  	s7 =	simm.s32 $_size__tile_overlayer_lowered;
	s8 =	simm.s32 $_tile_overlayer_lowered  }
0x9d: {  	s22 =	simm.s32 $0x1BFF;
	s21 =	sshll.u32 s8, $0x1;
	s5 =	sadd.s32 s6, s19  }
0x9e: {  	s9 =	simm.s32 $0x0;
	s20 =	sshll.u32 s7, $0x1;
	s7 =	sadd.s32 s21, s5  }
0x9f: {  	[timem:s9], [sflag:s22] =	dma.local [hbm:s7], s20  }
0xa0: {  	_ =	swait.ge [sflag:s22], s20  }
0xa1: {  	s6 =	ssub.s32 $0x0, s20;
	[sflag:s22] =	ssyncset.done $0x0  }
0xa2: {  	[sflag:s22] =	ssyncadd.s32 s6;
	_ =	sdelay $0x1  }
0xa3: {  	s23 =	simm.s32 $0x1B8B  }
0xa4: {  	_ =	swait.ge [sflag:s23], $0x1  }
0xa5: {  	[sflag:s23] =	ssyncset.done $0x0  }
0xa6: {  	s25 =	simm.s32 $0x1B8E;
	s24 =	sld [smem:$0x3FFE];
	[sflag:s23] =	ssyncadd.s32 $0xFFFFFFFF  }
0xa7: {  	s26 =	simm.s32 $execute0_lowered;
	[smem:$0x3FD2] =	sst s25  }
0xa8: {  	s7 =	sshll.u32 s26, $0x1;
	_ =	strace $0x80000046;
	[dreg:$0x1] =	wrdreg $0xFFFFFFFF  }
0xa9: {  	s28 =	simm.s32 $_size_execute0_lowered;
	s5 =	sadd.s32 s5, s7;
	[dreg:$0x0] =	wrdreg $0x0  }
0xaa: {  	s7 =	sshll.u32 s28, $0x1;
	[dreg:$0x2] =	wrdreg s5  }
0xab: {  	[dreg:$0x3] =	wrdreg s7  }
0xac: {  	[dreg:$0x4] =	wrdreg $0xC0  }
0xad: {  	_ =	task [dreg:s9], $0x5FFFF  }
0xae: {  	[dreg:$0x1] =	wrdreg $0xFFFFFFFF  }
0xaf: {  	[dreg:$0x0] =	wrdreg $0x60  }
0xb0: {  	[dreg:$0x2] =	wrdreg s2  }
0xb1: {  	[dreg:$0x3] =	wrdreg s24  }
0xb2: {  	[dreg:$0x4] =	wrdreg s18  }
0xb3: {  	[dreg:$0x5] =	wrdreg s4  }
0xb4: {  	[dreg:$0x6] =	wrdreg $0x9  }
0xb5: {  	_ =	task.clear_ibuf [dreg:s9], $0x7FFFF;
	_ =	strace $0x90000046  }
0xb6: {  	s29 =	simm.s32 $0x9;
	_ =	strace $0x80000048  }
0xb7: {  	_ =	swait.ge [sflag:s29], $0x1  }
0xb8: {  	[sflag:s29] =	ssyncadd.s32 $0xFFFFFFFF  }
0xb9: {  	_ =	strace $0x90000048  }
0xba: {  	_ =	sfence  }
0xbb: {  	s30 =	sld [smem:$0x0];
	_ =	sdelay $0x2  }
0xbc: {  	s31 =	sshll.u32 s1, $0xD;
	s1 =	sshrl.u32 s1, $0x2  }
0xbd: {  	s3 =	sand.u32 $0x4000, s31;
	s1 =	sadd.s32 s1, s30  }
0xbe: {  	s0 =	sor.u32 s3, s0;
	s1 =	sshll.u32 s1, $0x11  }
0xbf: {  	s0 =	sor.u32 s1, s0  }
0xc0: {  	s0 =	sadd.s32 $0x8F2B, s0  }
0xc1: {  	[sflag:s0] =	ssyncadd.remote.s32 $0x1  }
0xc2: {  	_ =	sfence.sel $0xFFFF  }
0xc3: {  	[dreg:$0x0] =	wrdreg $0xFFFFFFFF;
	(pc) =	sbr.abs _section_cstart, $3  }
0xc4: {  	[dreg:$0x1] =	wrdreg $0xFFFFFFFF  }
0xc5: {  	_ =	task.clear_ibuf [dreg:s9], $0x2FFFF;
	_ =	strace $0x9FFFFFFF  }
0xc6: {  	(tm) =	ssettm $0x7FFFFFFF  }
0xc7: {  	_ =	shalt  }
tec
execute0_lowered:
.L_overlay_start_1:
0x0: {  	(tag) =	ssettag $0x1  }
0x1: {  	v2 =	vlaneseq.u32;
	vm0 =	vmmov $0xff  }
0x2: {  	v3 =	vimm.s32 $0xB80;
	vm15 =	vcmask $0x300;
	v4 =	vimm.s32 $0x1B80  }
0x3: {  	vm14 =	vcmask $0x704;
	vm13 =	vcmask $0xB08;
	vm12 =	vcmask $0xF0C  }
0x4: {  	vm11 =	vcmask $0x1310;
	vm10 =	vcmask $0x1714;
	vm9 =	vcmask $0x1B18  }
0x5: {  	vm8 =	vcmask $0x1F1C;
	vm7 =	vcmask $0x2320;
	vm6 =	vcmask $0x2724  }
0x6: {  	vm5 =	vcmask $0x2B28;
	vm4 =	vcmask $0x2F2C;
	vm3 =	vcmask $0x3330  }
0x7: {  	vm2 =	vcmask $0x3734;
	vm1 =	vcmask $0x3B38;
	v5 =	vimm.s32 $0x2B80  }
0x8: {  	v6 =	vimm.s32 $0x3B80;
	v7 =	vimm.s32 $0x4B80;
	v8 =	vimm.s32 $0x5B80  }
0x9: {  	v9 =	vimm.s32 $0x6B80;
	v10 =	vimm.s32 $0x7B80;
	v1 =	vshrl.u32 v2, $0x3  }
0xa: {  	v0 =	vand.u32 $0x7, v2;
	v3 =	vsel vm15, $0x0, v3;
	v4 =	vsel vm15, $0x1000, v4  }
0xb: {  	v2 =	vor.u32 $0x8, v2;
	v5 =	vsel vm15, $0x2000, v5;
	v6 =	vsel vm15, $0x3000, v6  }
0xc: {  	v7 =	vsel vm15, $0x4000, v7;
	v8 =	vsel vm15, $0x5000, v8;
	v9 =	vsel vm15, $0x6000, v9  }
0xd: {  	v10 =	vsel vm15, $0x7000, v10;
	v1 =	vmul.u32 $0x8, v1;
	v3 =	vsel vm14, $0x80, v3  }
0xe: {  	v4 =	vsel vm14, $0x1080, v4;
	v5 =	vsel vm14, $0x2080, v5;
	v6 =	vsel vm14, $0x3080, v6  }
0xf: {  	v7 =	vsel vm14, $0x4080, v7;
	v8 =	vsel vm14, $0x5080, v8;
	v9 =	vsel vm14, $0x6080, v9  }
0x10: {  	v10 =	vsel vm14, $0x7080, v10;
	v3 =	vsel vm13, $0x100, v3;
	v4 =	vsel vm13, $0x1100, v4  }
0x11: {  	v5 =	vsel vm13, $0x2100, v5;
	v6 =	vsel vm13, $0x3100, v6;
	v7 =	vsel vm13, $0x4100, v7  }
0x12: {  	v8 =	vsel vm13, $0x5100, v8;
	v9 =	vsel vm13, $0x6100, v9;
	v10 =	vsel vm13, $0x7100, v10  }
0x13: {  	v3 =	vsel vm12, $0x180, v3;
	v4 =	vsel vm12, $0x1180, v4;
	v5 =	vsel vm12, $0x2180, v5  }
0x14: {  	v6 =	vsel vm12, $0x3180, v6;
	v7 =	vsel vm12, $0x4180, v7;
	v8 =	vsel vm12, $0x5180, v8  }
0x15: {  	v9 =	vsel vm12, $0x6180, v9;
	v10 =	vsel vm12, $0x7180, v10;
	v3 =	vsel vm11, $0x200, v3  }
0x16: {  	v4 =	vsel vm11, $0x1200, v4;
	v5 =	vsel vm11, $0x2200, v5;
	v6 =	vsel vm11, $0x3200, v6  }
0x17: {  	v7 =	vsel vm11, $0x4200, v7;
	v8 =	vsel vm11, $0x5200, v8;
	v9 =	vsel vm11, $0x6200, v9  }
0x18: {  	v10 =	vsel vm11, $0x7200, v10;
	v3 =	vsel vm10, $0x280, v3;
	v4 =	vsel vm10, $0x1280, v4  }
0x19: {  	v5 =	vsel vm10, $0x2280, v5;
	v6 =	vsel vm10, $0x3280, v6;
	v7 =	vsel vm10, $0x4280, v7  }
0x1a: {  	v8 =	vsel vm10, $0x5280, v8;
	v9 =	vsel vm10, $0x6280, v9;
	v10 =	vsel vm10, $0x7280, v10  }
0x1b: {  	v3 =	vsel vm9, $0x300, v3;
	v4 =	vsel vm9, $0x1300, v4;
	v5 =	vsel vm9, $0x2300, v5  }
0x1c: {  	v6 =	vsel vm9, $0x3300, v6;
	v7 =	vsel vm9, $0x4300, v7;
	v8 =	vsel vm9, $0x5300, v8  }
0x1d: {  	v9 =	vsel vm9, $0x6300, v9;
	v10 =	vsel vm9, $0x7300, v10;
	v3 =	vsel vm8, $0x380, v3  }
0x1e: {  	v4 =	vsel vm8, $0x1380, v4;
	v5 =	vsel vm8, $0x2380, v5;
	v6 =	vsel vm8, $0x3380, v6  }
0x1f: {  	v7 =	vsel vm8, $0x4380, v7;
	v8 =	vsel vm8, $0x5380, v8;
	v9 =	vsel vm8, $0x6380, v9  }
0x20: {  	v10 =	vsel vm8, $0x7380, v10;
	v3 =	vsel vm7, $0x800, v3;
	v4 =	vsel vm7, $0x1800, v4  }
0x21: {  	v5 =	vsel vm7, $0x2800, v5;
	v6 =	vsel vm7, $0x3800, v6;
	v7 =	vsel vm7, $0x4800, v7  }
0x22: {  	v8 =	vsel vm7, $0x5800, v8;
	v9 =	vsel vm7, $0x6800, v9;
	v10 =	vsel vm7, $0x7800, v10  }
0x23: {  	v3 =	vsel vm6, $0x880, v3;
	v4 =	vsel vm6, $0x1880, v4;
	v5 =	vsel vm6, $0x2880, v5  }
0x24: {  	v6 =	vsel vm6, $0x3880, v6;
	v7 =	vsel vm6, $0x4880, v7;
	v8 =	vsel vm6, $0x5880, v8  }
0x25: {  	s0 =	rddreg [dreg:$0x0];
	v9 =	vsel vm6, $0x6880, v9;
	v10 =	vsel vm6, $0x7880, v10;
	v3 =	vsel vm5, $0x900, v3  }
0x26: {  	s1 =	rddreg [dreg:$0x1];
	v4 =	vsel vm5, $0x1900, v4;
	v5 =	vsel vm5, $0x2900, v5;
	v6 =	vsel vm5, $0x3900, v6  }
0x27: {  	s2 =	rddreg [dreg:$0x3];
	s3 =	simm.s32 $0x0;
	s4 =	srdreg.scid;
	v7 =	vsel vm5, $0x4900, v7;
	v8 =	vsel vm5, $0x5900, v8;
	v9 =	vsel vm5, $0x6900, v9  }
0x28: {  	s7 =	stileid.u32;
	s12 =	simm.s32 $0x400;
	s13 =	simm.s32 $0x2000;
	v10 =	vsel vm5, $0x7900, v10;
	v3 =	vsel vm4, $0x980, v3;
	v4 =	vsel vm4, $0x1980, v4  }
0x29: {  	s15 =	simm.s32 $0x6400;
	s16 =	simm.s32 $0xA400;
	s28 =	simm.s32 $0x1;
	v5 =	vsel vm4, $0x2980, v5;
	v6 =	vsel vm4, $0x3980, v6;
	v7 =	vsel vm4, $0x4980, v7  }
0x2a: {  	s30 =	simm.s32 $0x2;
	[smem:$0x7FF] =	sst s3;
	s5 =	sadd.s32 $0xF42800, s1;
	v8 =	vsel vm4, $0x5980, v8;
	v9 =	vsel vm4, $0x6980, v9;
	v10 =	vsel vm4, $0x7980, v10  }
0x2b: {  	s22 =	sand.u32 $0x1, s4;
	s23 =	sshll.u32 s7, $0x1;
	s7 =	sshrl.u32 s7, $0x2;
	v3 =	vsel vm3, $0xA00, v3;
	v4 =	vsel vm3, $0x1A00, v4;
	v5 =	vsel vm3, $0x2A00, v5  }
0x2c: {  	s6 =	ssub.s32 $0x2, s22;
	s4 =	sand.u32 $0x6, s23;
	s24 =	smul.u32 $0x6400, s7;
	v6 =	vsel vm3, $0x3A00, v6;
	v7 =	vsel vm3, $0x4A00, v7;
	v8 =	vsel vm3, $0x5A00, v8  }
0x2d: {  	_ =	strace $0x80000047;
	s8 =	sshrl.u32 s6, $0x1;
	s1 =	sor.u32 s22, s4;
	v9 =	vsel vm3, $0x6A00, v9;
	v10 =	vsel vm3, $0x7A00, v10;
	v3 =	vsel vm2, $0xA80, v3  }
0x2e: {  	s8 =	ssub.s32 s6, s8;
	s9 =	sshll.u32 s1, $0x7;
	s25 =	sshrl.u32 s24, $0x2;
	v4 =	vsel vm2, $0x1A80, v4;
	v5 =	vsel vm2, $0x2A80, v5;
	v6 =	vsel vm2, $0x3A80, v6  }
0x2f: {  	s6 =	smul.u32 $0x32, s7;
	s0 =	sadd.s32 s0, s9;
	[dreg:$0x6] =	wrdreg s25;
	v7 =	vsel vm2, $0x4A80, v7;
	v8 =	vsel vm2, $0x5A80, v8;
	v9 =	vsel vm2, $0x6A80, v9  }
0x30: {  	s31 =	simm.s32 $0x4;
	s29 =	smax.u32 s8, $0x1;
	[dreg:$0x5] =	wrdreg s0;
	v10 =	vsel vm2, $0x7A80, v10;
	v3 =	vsel vm1, $0xB00, v3;
	v4 =	vsel vm1, $0x1B00, v4  }
0x31: {  	s4 =	simm.s32 $0x12400;
	s26 =	sadd.s32 $0x2, s6;
	[dreg:$0x8] =	wrdreg s29;
	v5 =	vsel vm1, $0x2B00, v5;
	v6 =	vsel vm1, $0x3B00, v6;
	v7 =	vsel vm1, $0x4B00, v7  }
0x32: {  	s7 =	sshll.u32 s1, $0xA;
	s1 =	simm.s32 $0x0;
	[dreg:$0x7] =	wrdreg s26;
	v8 =	vsel vm1, $0x5B00, v8;
	v9 =	vsel vm1, $0x6B00, v9;
	v10 =	vsel vm1, $0x7B00, v10  }
.LBB2_1:
0x33: {  	[dreg:$0x9] =	wrdreg s1  }
0x34: {  	s0 =	rddreg [dreg:$0x5];
	s26 =	simm.s32 $0x5  }
0x35: {  	[tilespmem:s3], [sflag:$0x5] =	stream.strided.gather [hbm4b:s0+s12], $0x6400, s13, s12, $0x38;
	[tilespmem:$0x1E400] =	vst v63  }
0x36: {  	_ =	swait.ge [sflag:s26], $0x6400  }
0x37: {  	[sflag:s26] =	ssyncset.done $0x0  }
0x38: {  	[sflag:s26] =	ssyncadd.s32 $0xFFFF9C00  }
0x39: {  	s29 =	rddreg [dreg:$0x2]  }
0x3a: {  	[tilespmem:s15], [sflag:$0x5] =	stream.linear.gather [hbm4b:s29+s3], $0x4000, $0x38;
	[tilespmem:$0x1E400] =	vst v63  }
0x3b: {  	_ =	swait.ge [sflag:s26], $0x4000  }
0x3c: {  	[sflag:s26] =	ssyncset.done $0x0  }
0x3d: {  	s8 =	rddreg [dreg:$0x6];
	[sflag:s26] =	ssyncadd.s32 $0xFFFFC000  }
0x3e: {  	v11 =	vld [tilespmem:s8+$0x0];
	_ =	sdelay $0x4  }
0x3f: {  	v12 =	vperm.xlane v11, v0;
	_ =	sdelay $0x1  }
0x40: {  	v11 =	vperm.xlane v11, v2;
	v12 =	vadd.s32 v1, v12;
	_ =	sdelay $0x1  }
0x41: {  	v11 =	vadd.s32 v1, v11;
	_ =	sdelay $0x2  }
0x42: {  	[tilespmem:s16], [sflag:$0x1] =	stream.indirect_vreg.gather [hbm4b:s5+s3], $0x80, v12, vm0, $0xb8;
	[tilespmem:$0x1E400] =	vst v63  }
0x43: {  	s9 =	simm.s32 $0xAC00  }
0x44: {  	[tilespmem:s9], [sflag:$0x1] =	stream.indirect_vreg.gather [hbm4b:s5+s3], $0x80, v11, vm0, $0xb8;
	[tilespmem:$0x1E400] =	vst v63  }
0x45: {  	v11 =	vld [tilespmem:s8+$0x10];
	_ =	sdelay $0x4  }
0x46: {  	v57 =	vperm.xlane v11, v0;
	_ =	sdelay $0x1  }
0x47: {  	v11 =	vperm.xlane v11, v2;
	v12 =	vadd.s32 v1, v57;
	_ =	sdelay $0x1  }
0x48: {  	v11 =	vadd.s32 v1, v11;
	_ =	sdelay $0x1  }
0x49: {  	s10 =	simm.s32 $0xB400  }
0x4a: {  	[tilespmem:s10], [sflag:$0x1] =	stream.indirect_vreg.gather [hbm4b:s5+s3], $0x80, v12, vm0, $0xb8;
	[tilespmem:$0x1E400] =	vst v63  }
0x4b: {  	s11 =	simm.s32 $0xBC00  }
0x4c: {  	[tilespmem:s11], [sflag:$0x1] =	stream.indirect_vreg.gather [hbm4b:s5+s3], $0x80, v11, vm0, $0xb8;
	[tilespmem:$0x1E400] =	vst v63  }
0x4d: {  	v11 =	vld [tilespmem:s8+$0x20];
	_ =	sdelay $0x4  }
0x4e: {  	v58 =	vperm.xlane v11, v0;
	_ =	sdelay $0x1  }
0x4f: {  	v11 =	vperm.xlane v11, v2;
	v12 =	vadd.s32 v1, v58;
	_ =	sdelay $0x1  }
0x50: {  	v11 =	vadd.s32 v1, v11;
	_ =	sdelay $0x1  }
0x51: {  	s14 =	simm.s32 $0xC400  }
0x52: {  	[tilespmem:s14], [sflag:$0x1] =	stream.indirect_vreg.gather [hbm4b:s5+s3], $0x80, v12, vm0, $0xb8;
	[tilespmem:$0x1E400] =	vst v63  }
0x53: {  	s17 =	simm.s32 $0xCC00  }
0x54: {  	[tilespmem:s17], [sflag:$0x1] =	stream.indirect_vreg.gather [hbm4b:s5+s3], $0x80, v11, vm0, $0xb8;
	[tilespmem:$0x1E400] =	vst v63  }
0x55: {  	v11 =	vld [tilespmem:s8+$0x30];
	_ =	sdelay $0x4  }
0x56: {  	v59 =	vperm.xlane v11, v0;
	_ =	sdelay $0x1  }
0x57: {  	v11 =	vperm.xlane v11, v2;
	v12 =	vadd.s32 v1, v59;
	_ =	sdelay $0x1  }
0x58: {  	v11 =	vadd.s32 v1, v11;
	_ =	sdelay $0x1  }
0x59: {  	s18 =	simm.s32 $0xD400  }
0x5a: {  	[tilespmem:s18], [sflag:$0x1] =	stream.indirect_vreg.gather [hbm4b:s5+s3], $0x80, v12, vm0, $0xb8;
	[tilespmem:$0x1E400] =	vst v63  }
0x5b: {  	s19 =	simm.s32 $0xDC00  }
0x5c: {  	[tilespmem:s19], [sflag:$0x1] =	stream.indirect_vreg.gather [hbm4b:s5+s3], $0x80, v11, vm0, $0xb8;
	[tilespmem:$0x1E400] =	vst v63  }
0x5d: {  	v11 =	vld [tilespmem:s8+$0x40];
	_ =	sdelay $0x4  }
0x5e: {  	v60 =	vperm.xlane v11, v0;
	_ =	sdelay $0x1  }
0x5f: {  	v11 =	vperm.xlane v11, v2;
	v12 =	vadd.s32 v1, v60;
	_ =	sdelay $0x1  }
0x60: {  	v11 =	vadd.s32 v1, v11;
	_ =	sdelay $0x1  }
0x61: {  	s20 =	simm.s32 $0xE400  }
0x62: {  	[tilespmem:s20], [sflag:$0x1] =	stream.indirect_vreg.gather [hbm4b:s5+s3], $0x80, v12, vm0, $0xb8;
	[tilespmem:$0x1E400] =	vst v63  }
0x63: {  	s21 =	simm.s32 $0xEC00  }
0x64: {  	[tilespmem:s21], [sflag:$0x1] =	stream.indirect_vreg.gather [hbm4b:s5+s3], $0x80, v11, vm0, $0xb8;
	[tilespmem:$0x1E400] =	vst v63  }
0x65: {  	v11 =	vld [tilespmem:s8+$0x50];
	_ =	sdelay $0x4  }
0x66: {  	v61 =	vperm.xlane v11, v0;
	_ =	sdelay $0x1  }
0x67: {  	v11 =	vperm.xlane v11, v2;
	v12 =	vadd.s32 v1, v61;
	_ =	sdelay $0x1  }
0x68: {  	v11 =	vadd.s32 v1, v11;
	_ =	sdelay $0x1  }
0x69: {  	s22 =	simm.s32 $0xF400  }
0x6a: {  	[tilespmem:s22], [sflag:$0x1] =	stream.indirect_vreg.gather [hbm4b:s5+s3], $0x80, v12, vm0, $0xb8;
	[tilespmem:$0x1E400] =	vst v63  }
0x6b: {  	s23 =	simm.s32 $0xFC00  }
0x6c: {  	[tilespmem:s23], [sflag:$0x1] =	stream.indirect_vreg.gather [hbm4b:s5+s3], $0x80, v11, vm0, $0xb8;
	[tilespmem:$0x1E400] =	vst v63  }
0x6d: {  	v11 =	vld [tilespmem:s8+$0x60];
	_ =	sdelay $0x4  }
0x6e: {  	v62 =	vperm.xlane v11, v0;
	_ =	sdelay $0x1  }
0x6f: {  	v11 =	vperm.xlane v11, v2;
	v12 =	vadd.s32 v1, v62;
	_ =	sdelay $0x1  }
0x70: {  	v11 =	vadd.s32 v1, v11;
	_ =	sdelay $0x1  }
0x71: {  	s24 =	simm.s32 $0x10400  }
0x72: {  	[tilespmem:s24], [sflag:$0x1] =	stream.indirect_vreg.gather [hbm4b:s5+s3], $0x80, v12, vm0, $0xb8;
	[tilespmem:$0x1E400] =	vst v63  }
0x73: {  	s25 =	simm.s32 $0x10C00  }
0x74: {  	[tilespmem:s25], [sflag:$0x1] =	stream.indirect_vreg.gather [hbm4b:s5+s3], $0x80, v11, vm0, $0xb8;
	[tilespmem:$0x1E400] =	vst v63  }
0x75: {  	v11 =	vld [tilespmem:s8+$0x70];
	_ =	sdelay $0x4  }
0x76: {  	v63 =	vperm.xlane v11, v0;
	_ =	sdelay $0x1  }
0x77: {  	v11 =	vperm.xlane v11, v2;
	v12 =	vadd.s32 v1, v63;
	_ =	sdelay $0x1  }
0x78: {  	v11 =	vadd.s32 v1, v11;
	_ =	sdelay $0x1  }
0x79: {  	s26 =	simm.s32 $0x11400  }
0x7a: {  	[tilespmem:s26], [sflag:$0x1] =	stream.indirect_vreg.gather [hbm4b:s5+s3], $0x80, v12, vm0, $0xb8;
	[tilespmem:$0x1E400] =	vst v63  }
0x7b: {  	s29 =	simm.s32 $0x11C00;
	s10 =	simm.s32 $0x0  }
0x7c: {  	[tilespmem:s29], [sflag:$0x1] =	stream.indirect_vreg.gather [hbm4b:s5+s3], $0x80, v11, vm0, $0xb8;
	[tilespmem:$0x1E400] =	vst v63  }
.LBB2_2:
0x7d: {  	s8 =	sshll.u32 s10, $0x1  }
0x7e: {  	s0 =	sadd.s32 s8, s6  }
0x7f: {  	s0 =	sadd.s32 $0x1, s0  }
0x80: {  	s1 =	sshll.u32 s0, $0x7  }
0x81: {  	s1 =	sand.u32 $0x3FFFFF80, s1  }
0x82: {  	v11 =	vld [tilespmem:s1+$0x0];
	_ =	sdelay $0x4  }
0x83: {  	v12 =	vperm.xlane v11, v0;
	_ =	sdelay $0x1  }
0x84: {  	v11 =	vperm.xlane v11, v2;
	v12 =	vadd.s32 v1, v12;
	_ =	sdelay $0x1  }
0x85: {  	v11 =	vadd.s32 v1, v11;
	_ =	sdelay $0x2  }
0x86: {  	[tilespmem:s4], [sflag:$0x2] =	stream.indirect_vreg.gather [hbm4b:s5+s3], $0x80, v12, vm0, $0xb8;
	[tilespmem:$0x1E400] =	vst v63  }
0x87: {  	s9 =	simm.s32 $0x12C00  }
0x88: {  	[tilespmem:s9], [sflag:$0x2] =	stream.indirect_vreg.gather [hbm4b:s5+s3], $0x80, v11, vm0, $0xb8;
	[tilespmem:$0x1E400] =	vst v63  }
0x89: {  	v11 =	vld [tilespmem:s1+$0x10];
	_ =	sdelay $0x4  }
0x8a: {  	v12 =	vperm.xlane v11, v0;
	_ =	sdelay $0x1  }
0x8b: {  	v11 =	vperm.xlane v11, v2;
	v12 =	vadd.s32 v1, v12;
	_ =	sdelay $0x1  }
0x8c: {  	v11 =	vadd.s32 v1, v11;
	_ =	sdelay $0x1  }
0x8d: {  	s24 =	simm.s32 $0x13400  }
0x8e: {  	[tilespmem:s24], [sflag:$0x2] =	stream.indirect_vreg.gather [hbm4b:s5+s3], $0x80, v12, vm0, $0xb8;
	[tilespmem:$0x1E400] =	vst v63  }
0x8f: {  	s25 =	simm.s32 $0x13C00  }
0x90: {  	[tilespmem:s25], [sflag:$0x2] =	stream.indirect_vreg.gather [hbm4b:s5+s3], $0x80, v11, vm0, $0xb8;
	[tilespmem:$0x1E400] =	vst v63  }
0x91: {  	v11 =	vld [tilespmem:s1+$0x20];
	_ =	sdelay $0x4  }
0x92: {  	v12 =	vperm.xlane v11, v0;
	_ =	sdelay $0x1  }
0x93: {  	v11 =	vperm.xlane v11, v2;
	v12 =	vadd.s32 v1, v12;
	_ =	sdelay $0x1  }
0x94: {  	v11 =	vadd.s32 v1, v11;
	_ =	sdelay $0x1  }
0x95: {  	s26 =	simm.s32 $0x14400  }
0x96: {  	[tilespmem:s26], [sflag:$0x2] =	stream.indirect_vreg.gather [hbm4b:s5+s3], $0x80, v12, vm0, $0xb8;
	[tilespmem:$0x1E400] =	vst v63  }
0x97: {  	s11 =	simm.s32 $0x14C00  }
0x98: {  	[tilespmem:s11], [sflag:$0x2] =	stream.indirect_vreg.gather [hbm4b:s5+s3], $0x80, v11, vm0, $0xb8;
	[tilespmem:$0x1E400] =	vst v63  }
0x99: {  	v11 =	vld [tilespmem:s1+$0x30];
	_ =	sdelay $0x4  }
0x9a: {  	v12 =	vperm.xlane v11, v0;
	_ =	sdelay $0x1  }
0x9b: {  	v11 =	vperm.xlane v11, v2;
	v12 =	vadd.s32 v1, v12;
	_ =	sdelay $0x1  }
0x9c: {  	v11 =	vadd.s32 v1, v11;
	_ =	sdelay $0x1  }
0x9d: {  	s14 =	simm.s32 $0x15400  }
0x9e: {  	[tilespmem:s14], [sflag:$0x2] =	stream.indirect_vreg.gather [hbm4b:s5+s3], $0x80, v12, vm0, $0xb8;
	[tilespmem:$0x1E400] =	vst v63  }
0x9f: {  	s17 =	simm.s32 $0x15C00  }
0xa0: {  	[tilespmem:s17], [sflag:$0x2] =	stream.indirect_vreg.gather [hbm4b:s5+s3], $0x80, v11, vm0, $0xb8;
	[tilespmem:$0x1E400] =	vst v63  }
0xa1: {  	v11 =	vld [tilespmem:s1+$0x40];
	_ =	sdelay $0x4  }
0xa2: {  	v12 =	vperm.xlane v11, v0;
	_ =	sdelay $0x1  }
0xa3: {  	v11 =	vperm.xlane v11, v2;
	v12 =	vadd.s32 v1, v12;
	_ =	sdelay $0x1  }
0xa4: {  	v11 =	vadd.s32 v1, v11;
	_ =	sdelay $0x1  }
0xa5: {  	s18 =	simm.s32 $0x16400  }
0xa6: {  	[tilespmem:s18], [sflag:$0x2] =	stream.indirect_vreg.gather [hbm4b:s5+s3], $0x80, v12, vm0, $0xb8;
	[tilespmem:$0x1E400] =	vst v63  }
0xa7: {  	s19 =	simm.s32 $0x16C00  }
0xa8: {  	[tilespmem:s19], [sflag:$0x2] =	stream.indirect_vreg.gather [hbm4b:s5+s3], $0x80, v11, vm0, $0xb8;
	[tilespmem:$0x1E400] =	vst v63  }
0xa9: {  	v11 =	vld [tilespmem:s1+$0x50];
	_ =	sdelay $0x4  }
0xaa: {  	v12 =	vperm.xlane v11, v0;
	_ =	sdelay $0x1  }
0xab: {  	v11 =	vperm.xlane v11, v2;
	v12 =	vadd.s32 v1, v12;
	_ =	sdelay $0x1  }
0xac: {  	v11 =	vadd.s32 v1, v11;
	_ =	sdelay $0x1  }
0xad: {  	s20 =	simm.s32 $0x17400  }
0xae: {  	[tilespmem:s20], [sflag:$0x2] =	stream.indirect_vreg.gather [hbm4b:s5+s3], $0x80, v12, vm0, $0xb8;
	[tilespmem:$0x1E400] =	vst v63  }
0xaf: {  	s21 =	simm.s32 $0x17C00  }
0xb0: {  	[tilespmem:s21], [sflag:$0x2] =	stream.indirect_vreg.gather [hbm4b:s5+s3], $0x80, v11, vm0, $0xb8;
	[tilespmem:$0x1E400] =	vst v63  }
0xb1: {  	v11 =	vld [tilespmem:s1+$0x60];
	_ =	sdelay $0x4  }
0xb2: {  	v12 =	vperm.xlane v11, v0;
	_ =	sdelay $0x1  }
0xb3: {  	v11 =	vperm.xlane v11, v2;
	v12 =	vadd.s32 v1, v12;
	_ =	sdelay $0x1  }
0xb4: {  	v11 =	vadd.s32 v1, v11;
	_ =	sdelay $0x1  }
0xb5: {  	s22 =	simm.s32 $0x18400  }
0xb6: {  	[tilespmem:s22], [sflag:$0x2] =	stream.indirect_vreg.gather [hbm4b:s5+s3], $0x80, v12, vm0, $0xb8;
	[tilespmem:$0x1E400] =	vst v63  }
0xb7: {  	s23 =	simm.s32 $0x18C00  }
0xb8: {  	[tilespmem:s23], [sflag:$0x2] =	stream.indirect_vreg.gather [hbm4b:s5+s3], $0x80, v11, vm0, $0xb8;
	[tilespmem:$0x1E400] =	vst v63  }
0xb9: {  	v11 =	vld [tilespmem:s1+$0x70];
	_ =	sdelay $0x4  }
0xba: {  	v12 =	vperm.xlane v11, v0;
	_ =	sdelay $0x1  }
0xbb: {  	v11 =	vperm.xlane v11, v2;
	v12 =	vadd.s32 v1, v12;
	_ =	sdelay $0x1  }
0xbc: {  	v11 =	vadd.s32 v1, v11;
	_ =	sdelay $0x1  }
0xbd: {  	s24 =	simm.s32 $0x19400;
	s25 =	simm.s32 $0x1;
	s11 =	sadd.s32 s6, s8  }
0xbe: {  	[tilespmem:s24], [sflag:$0x2] =	stream.indirect_vreg.gather [hbm4b:s5+s3], $0x80, v12, vm0, $0xb8;
	[tilespmem:$0x1E400] =	vst v63  }
0xbf: {  	v13 =	vmov s25;
	s26 =	simm.s32 $0x19C00;
	v12 =	vmov s11  }
0xc0: {  	v15 =	vshll.u32 v13, $0x8;
	v13 =	vshll.u32 v13, $0x7;
	v14 =	vshll.u32 v12, $0x3;
	[tilespmem:s26], [sflag:$0x2] =	stream.indirect_vreg.gather [hbm4b:s5+s3], $0x80, v11, vm0, $0xb8;
	[tilespmem:$0x1E400] =	vst v63  }
0xc1: {  	v18 =	vand.u32 $0x7E, v12;
	v19 =	vand.u32 $0x7FFFFC00, v14;
	v11 =	vand.u32 $0x3800, v15;
	s26 =	simm.s32 $0x0  }
0xc2: {  	v12 =	vand.u32 $0x380, v13;
	_ =	swait.ge [sflag:s28], $0x4000;
	v11 =	vadd.s32 v19, v11;
	v13 =	vmov s26  }
0xc3: {  	p0 =	seq.s32 s10, $0x0;
	[sflag:s28] =	ssyncset.done $0x0;
	v11 =	vor.u32 v12, v11;
	v12 =	vor.u32 s25, v3;
	v14 =	vshll.u32 v13, $0x8  }
0xc4: {  	s1 =	simm.s32 @!p0 $0x3;
	v13 =	vshll.u32 v13, $0x7;
	[sflag:s28] =	ssyncadd.s32 $0xFFFFC000;
	v11 =	vor.u32 v18, v11;
	v14 =	vand.u32 $0x3800, v14  }
0xc5: {  	v13 =	vand.u32 $0x300, v13;
	_ =	swait.ge @!p0 [sflag:s1], $0x2000;
	v14 =	vadd.s32 v19, v14  }
0xc6: {  	[sflag:s1] =	ssyncset.done @!p0 $0x0;
	v13 =	vor.u32 v13, v14;
	v14 =	vor.u32 s26, v3  }
0xc7: {  	[sflag:s1] =	ssyncadd.s32 @!p0 $0xFFFFE000;
	v13 =	vor.u32 v18, v13  }
0xc8: {  	v12 =	vld.idx.msk [tilespmem:v12+s16+$0x0], $0xffff  }
0xc9: {  	v15 =	vld.idx.msk [tilespmem:v11+s15+$0x0], $0xffff;
	_ =	sdelay $0x1  }
0xca: {  	v11 =	vld.idx.msk [tilespmem:v14+s16+$0x0], $0xffff  }
0xcb: {  	v14 =	vor.u32 s25, v4;
	v13 =	vld.idx.msk [tilespmem:v13+s15+$0x0], $0xffff  }
0xcc: {  	s14 =	simm.s32 $0x3  }
0xcd: {  	v16 =	vmov s14;
	v12 =	vadd.f32 v12, v15  }
0xce: {  	v17 =	vshll.u32 v16, $0x8;
	v16 =	vshll.u32 v16, $0x7;
	s18 =	simm.s32 $0x1A480;
	v20 =	vor.u32 s26, v4  }
0xcf: {  	s17 =	simm.s32 $0x2;
	v16 =	vand.u32 $0x380, v16;
	[tilespmem:s18+$0x0] =	vst v12;
	v12 =	vand.u32 $0x3800, v17  }
0xd0: {  	v17 =	vmov s17;
	v14 =	vld.idx.msk [tilespmem:v14+s16+$0x0], $0xffff;
	v12 =	vadd.s32 v19, v12;
	v11 =	vadd.f32 v11, v13  }
0xd1: {  	v21 =	vshll.u32 v17, $0x8;
	v12 =	vor.u32 v16, v12;
	v16 =	vor.u32 s14, v3  }
0xd2: {  	v17 =	vshll.u32 v17, $0x7;
	v21 =	vand.u32 $0x3800, v21;
	v12 =	vor.u32 v18, v12;
	[tilespmem:s18+$0xFFFFFF80] =	vst v11  }
0xd3: {  	v17 =	vand.u32 $0x300, v17;
	v11 =	vor.u32 s25, v5;
	v21 =	vadd.s32 v19, v21;
	v20 =	vld.idx.msk [tilespmem:v20+s16+$0x0], $0xffff  }
0xd4: {  	v17 =	vor.u32 v17, v21;
	v21 =	vor.u32 s17, v3  }
0xd5: {  	v17 =	vor.u32 v18, v17;
	v14 =	vadd.f32 v14, v15  }
0xd6: {  	v22 =	vor.u32 s26, v5;
	v16 =	vld.idx.msk [tilespmem:v16+s16+$0x0], $0xffff  }
0xd7: {  	[tilespmem:s18+$0x10] =	vst v14;
	v12 =	vld.idx.msk [tilespmem:v12+s15+$0x0], $0xffff  }
0xd8: {  	v14 =	vld.idx.msk [tilespmem:v11+s16+$0x0], $0xffff;
	v20 =	vadd.f32 v20, v13  }
0xd9: {  	v21 =	vld.idx.msk [tilespmem:v21+s16+$0x0], $0xffff  }
0xda: {  	s20 =	simm.s32 $0x5;
	v11 =	vld.idx.msk [tilespmem:v17+s15+$0x0], $0xffff;
	v17 =	vor.u32 s14, v4;
	[tilespmem:s18+$0xFFFFFF90] =	vst v20  }
0xdb: {  	v23 =	vor.u32 s25, v6;
	v26 =	vor.u32 s17, v4;
	v24 =	vmov s20;
	v22 =	vld.idx.msk [tilespmem:v22+s16+$0x0], $0xffff  }
0xdc: {  	v25 =	vshll.u32 v24, $0x8;
	v24 =	vshll.u32 v24, $0x7;
	v16 =	vadd.f32 v16, v12  }
0xdd: {  	s9 =	simm.s32 $0x1A580;
	s19 =	simm.s32 $0x4;
	v25 =	vand.u32 $0x3800, v25;
	v24 =	vand.u32 $0x380, v24;
	v14 =	vadd.f32 v14, v15  }
0xde: {  	v27 =	vor.u32 s26, v6;
	v20 =	vmov s19;
	[tilespmem:s9+$0x0] =	vst v16;
	v16 =	vadd.s32 v19, v25  }
0xdf: {  	v21 =	vadd.f32 v21, v11;
	v17 =	vld.idx.msk [tilespmem:v17+s16+$0x0], $0xffff;
	[tilespmem:s18+$0x20] =	vst v14;
	v14 =	vor.u32 v24, v16;
	v16 =	vor.u32 s20, v3  }
0xe0: {  	v24 =	vshll.u32 v20, $0x8;
	v22 =	vadd.f32 v22, v13;
	v23 =	vld.idx.msk [tilespmem:v23+s16+$0x0], $0xffff;
	v14 =	vor.u32 v18, v14  }
0xe1: {  	v25 =	vor.u32 s19, v3;
	v20 =	vshll.u32 v20, $0x7;
	v24 =	vand.u32 $0x3800, v24;
	[tilespmem:s9+$0xFFFFFF80] =	vst v21  }
0xe2: {  	s21 =	simm.s32 $0x6;
	v20 =	vand.u32 $0x300, v20;
	v21 =	vadd.s32 v19, v24;
	v24 =	vld.idx.msk [tilespmem:v26+s16+$0x0], $0xffff;
	[tilespmem:s18+$0xFFFFFFA0] =	vst v22;
	v22 =	vor.u32 s14, v5  }
0xe3: {  	v26 =	vor.u32 s25, v7;
	v20 =	vor.u32 v20, v21;
	v21 =	vld.idx.msk [tilespmem:v27+s16+$0x0], $0xffff;
	v27 =	vmov s21  }
0xe4: {  	v20 =	vor.u32 v18, v20;
	v17 =	vadd.f32 v17, v12;
	v28 =	vshll.u32 v27, $0x8;
	v29 =	vld.idx.msk [tilespmem:v16+s16+$0x0], $0xffff  }
0xe5: {  	v16 =	vadd.f32 v23, v15;
	v23 =	vor.u32 s17, v5;
	v28 =	vand.u32 $0x3800, v28;
	v14 =	vld.idx.msk [tilespmem:v14+s15+$0x0], $0xffff  }
0xe6: {  	v30 =	vor.u32 s26, v7;
	v25 =	vld.idx.msk [tilespmem:v25+s16+$0x0], $0xffff;
	[tilespmem:s9+$0x10] =	vst v17;
	v17 =	vshll.u32 v27, $0x7;
	v27 =	vadd.s32 v19, v28  }
0xe7: {  	[tilespmem:s18+$0x30] =	vst v16;
	v16 =	vand.u32 $0x300, v17;
	v17 =	vadd.f32 v24, v11;
	v22 =	vld.idx.msk [tilespmem:v22+s16+$0x0], $0xffff;
	v24 =	vor.u32 s21, v3  }
0xe8: {  	v28 =	vor.u32 s20, v4;
	v27 =	vor.u32 v16, v27;
	v21 =	vadd.f32 v21, v13;
	v26 =	vld.idx.msk [tilespmem:v26+s16+$0x0], $0xffff  }
0xe9: {  	v16 =	vld.idx.msk [tilespmem:v20+s15+$0x0], $0xffff;
	v20 =	vor.u32 v18, v27;
	[tilespmem:s9+$0xFFFFFF90] =	vst v17  }
0xea: {  	v31 =	vor.u32 s17, v6;
	s23 =	simm.s32 $0x7;
	v23 =	vld.idx.msk [tilespmem:v23+s16+$0x0], $0xffff;
	[tilespmem:s18+$0xFFFFFFB0] =	vst v21;
	v21 =	vor.u32 s14, v6;
	v17 =	vadd.f32 v29, v14  }
0xeb: {  	s22 =	simm.s32 $0x1A680;
	v32 =	vmov s23;
	v27 =	vor.u32 s26, v8;
	v29 =	vld.idx.msk [tilespmem:v30+s16+$0x0], $0xffff;
	v30 =	vor.u32 s25, v8  }
0xec: {  	v33 =	vld.idx.msk [tilespmem:v24+s16+$0x0], $0xffff;
	v22 =	vadd.f32 v22, v12;
	v24 =	vor.u32 s19, v4;
	[tilespmem:s22+$0x0] =	vst v17;
	v17 =	vshll.u32 v32, $0x8  }
0xed: {  	v32 =	vshll.u32 v32, $0x7;
	v26 =	vadd.f32 v26, v15;
	v28 =	vld.idx.msk [tilespmem:v28+s16+$0x0], $0xffff;
	v34 =	vand.u32 $0x3800, v17  }
0xee: {  	v17 =	vld.idx.msk [tilespmem:v20+s15+$0x0], $0xffff;
	v20 =	vadd.f32 v25, v16;
	[tilespmem:s9+$0x20] =	vst v22;
	v22 =	vadd.s32 v19, v34;
	v25 =	vand.u32 $0x380, v32  }
0xef: {  	v23 =	vadd.f32 v23, v11;
	v21 =	vld.idx.msk [tilespmem:v21+s16+$0x0], $0xffff;
	[tilespmem:s18+$0x40] =	vst v26;
	v22 =	vor.u32 v25, v22;
	v25 =	vor.u32 s23, v3  }
0xf0: {  	v26 =	vadd.f32 v29, v13;
	v29 =	vld.idx.msk [tilespmem:v30+s16+$0x0], $0xffff;
	[tilespmem:s22+$0xFFFFFF80] =	vst v20;
	v20 =	vor.u32 v18, v22  }
0xf1: {  	v61 =	vor.u32 s25, v9;
	s24 =	simm.s32 $0x8;
	v22 =	vld.idx.msk [tilespmem:v24+s16+$0x0], $0xffff;
	[tilespmem:s9+$0xFFFFFFA0] =	vst v23;
	v23 =	vor.u32 s20, v5  }
0xf2: {  	v60 =	vmov s24;
	v30 =	vor.u32 s14, v7;
	v24 =	vld.idx.msk [tilespmem:v31+s16+$0x0], $0xffff;
	[tilespmem:s18+$0xFFFFFFC0] =	vst v26  }
0xf3: {  	v36 =	vor.u32 s19, v5;
	v35 =	vshll.u32 v60, $0x8;
	v28 =	vadd.f32 v28, v14;
	v27 =	vld.idx.msk [tilespmem:v27+s16+$0x0], $0xffff  }
0xf4: {  	v32 =	vshll.u32 v60, $0x7;
	v26 =	vor.u32 s26, v9;
	v21 =	vadd.f32 v21, v12;
	v25 =	vld.idx.msk [tilespmem:v25+s16+$0x0], $0xffff  }
0xf5: {  	v31 =	vor.u32 s17, v7;
	[tilespmem:s22+$0x10] =	vst v28;
	v28 =	vadd.f32 v29, v15;
	v29 =	vand.u32 $0x3800, v35;
	v20 =	vld.idx.msk [tilespmem:v20+s15+$0x0], $0xffff  }
0xf6: {  	[tilespmem:s9+$0x30] =	vst v21;
	v21 =	vadd.s32 v19, v29;
	v29 =	vand.u32 $0x300, v32;
	v22 =	vadd.f32 v22, v16;
	v62 =	vld.idx.msk [tilespmem:v23+s16+$0x0], $0xffff  }
0xf7: {  	[tilespmem:s18+$0x50] =	vst v28;
	v21 =	vor.u32 v29, v21;
	v28 =	vor.u32 s24, v3;
	v23 =	vadd.f32 v24, v11;
	v29 =	vld.idx.msk [tilespmem:v30+s16+$0x0], $0xffff  }
0xf8: {  	v21 =	vor.u32 v18, v21;
	[tilespmem:s22+$0xFFFFFF90] =	vst v22;
	v22 =	vadd.f32 v27, v13;
	v34 =	vld.idx.msk [tilespmem:v61+s16+$0x0], $0xffff  }
0xf9: {  	v37 =	vor.u32 s23, v4;
	v38 =	vld.idx.msk [tilespmem:v36+s16+$0x0], $0xffff;
	[tilespmem:s9+$0xFFFFFFB0] =	vst v23  }
0xfa: {  	v39 =	vor.u32 s20, v6;
	v35 =	vadd.f32 v33, v17;
	v24 =	vld.idx.msk [tilespmem:v31+s16+$0x0], $0xffff;
	[tilespmem:s18+$0xFFFFFFD0] =	vst v22  }
0xfb: {  	v32 =	vor.u32 s21, v4;
	v31 =	vadd.f32 v25, v20;
	v25 =	vor.u32 s14, v8;
	v26 =	vld.idx.msk [tilespmem:v26+s16+$0x0], $0xffff  }
0xfc: {  	s1 =	simm.s32 $0x1A780;
	v27 =	vor.u32 s25, v10;
	v22 =	vor.u32 s26, v10;
	s26 =	simm.s32 $0x9;
	v63 =	vadd.f32 v62, v14;
	v30 =	vld.idx.msk [tilespmem:v28+s16+$0x0], $0xffff  }
0xfd: {  	v23 =	vor.u32 s17, v8;
	v40 =	vmov s26;
	[tilespmem:s1+$0x0] =	vst v31;
	v41 =	vadd.f32 v29, v12;
	v21 =	vld.idx.msk [tilespmem:v21+s15+$0x0], $0xffff  }
0xfe: {  	v28 =	vor.u32 s19, v6;
	v29 =	vshll.u32 v40, $0x8;
	v31 =	vld.idx.msk [tilespmem:v37+s16+$0x0], $0xffff;
	[tilespmem:s22+$0x20] =	vst v63;
	v34 =	vadd.f32 v34, v15  }
0xff: {  	s29 =	simm.s32 $0xA;
	s25 =	simm.s32 $0x1A780;
	v36 =	vand.u32 $0x3800, v29;
	v37 =	vshll.u32 v40, $0x7;
	v33 =	vadd.f32 v38, v16;
	v29 =	vld.idx.msk [tilespmem:v39+s16+$0x0], $0xffff;
	[tilespmem:s9+$0x40] =	vst v41  }
.LBB2_3:
0x100: {  	p1 =	slt.u32 s29, $0x3E;
	v36 =	vadd.s32 v19, v36;
	v37 =	vand.u32 $0x380, v37;
	v24 =	vadd.f32 v24, v11;
	v25 =	vld.idx.msk [tilespmem:v25+s16+$0x0], $0xffff;
	[tilespmem:s18+$0x60] =	vst v34  }
0x101: {  	v26 =	vadd.f32 v26, v13;
	v34 =	vor.u32 v37, v36;
	v36 =	vor.u32 s26, v3;
	[tilespmem:s1+$0xFFFFFF80] =	vst v35;
	v27 =	vld.idx.msk [tilespmem:v27+s16+$0x0], $0xffff  }
0x102: {  	v34 =	vor.u32 v18, v34;
	v32 =	vld.idx.msk [tilespmem:v32+s16+$0x0], $0xffff;
	[tilespmem:s22+$0xFFFFFFA0] =	vst v33;
	v33 =	vmov v30  }
0x103: {  	v35 =	vor.u32 s17, v9;
	v30 =	vor.u32 s23, v5;
	v28 =	vld.idx.msk [tilespmem:v28+s16+$0x0], $0xffff;
	[tilespmem:s9+$0xFFFFFFC0] =	vst v24  }
0x104: {  	v37 =	vor.u32 s20, v7;
	v24 =	vadd.f32 v31, v20;
	v31 =	vor.u32 s19, v7;
	v23 =	vld.idx.msk [tilespmem:v23+s16+$0x0], $0xffff;
	[tilespmem:s18+$0xFFFFFFE0] =	vst v26  }
0x105: {  	v38 =	vor.u32 s14, v9;
	v26 =	vmov s29;
	v29 =	vadd.f32 v29, v14;
	v22 =	vld.idx.msk [tilespmem:v22+s16+$0x0], $0xffff  }
0x106: {  	v40 =	vor.u32 s21, v5;
	v39 =	vshll.u32 v26, $0x8;
	v36 =	vld.idx.msk [tilespmem:v36+s16+$0x0], $0xffff;
	[tilespmem:s1+$0x10] =	vst v24;
	v24 =	vadd.f32 v25, v12  }
0x107: {  	v26 =	vshll.u32 v26, $0x7;
	v25 =	vand.u32 $0x3800, v39;
	v27 =	vadd.f32 v27, v15;
	v15 =	vmovc v12;
	v34 =	vld.idx.msk [tilespmem:v34+s15+$0x0], $0xffff;
	[tilespmem:s22+$0x30] =	vst v29  }
0x108: {  	v39 =	vadd.s32 v19, v25;
	v25 =	vand.u32 $0x300, v26;
	v26 =	vadd.f32 v32, v17;
	v29 =	vld.idx.msk [tilespmem:v30+s16+$0x0], $0xffff;
	[tilespmem:s9+$0x50] =	vst v24  }
0x109: {  	v25 =	vor.u32 v25, v39;
	v30 =	vor.u32 s29, v3;
	v24 =	vadd.f32 v28, v16;
	v37 =	vld.idx.msk [tilespmem:v37+s16+$0x0], $0xffff;
	[tilespmem:s18+$0x70] =	vst v27  }
0x10a: {  	v12 =	vmov v14;
	v32 =	vor.u32 v18, v25;
	v23 =	vadd.f32 v23, v11;
	[tilespmem:s1+$0xFFFFFF90] =	vst v26;
	v38 =	vld.idx.msk [tilespmem:v38+s16+$0x0], $0xffff  }
0x10b: {  	v14 =	vmovc v20;
	v39 =	vor.u32 s26, v4;
	v27 =	vadd.f32 v22, v13;
	v13 =	vmov v11;
	v40 =	vld.idx.msk [tilespmem:v40+s16+$0x0], $0xffff;
	[tilespmem:s22+$0xFFFFFFB0] =	vst v24  }
0x10c: {  	v41 =	vor.u32 s23, v6;
	v22 =	vor.u32 s17, v10;
	v11 =	vmovc v16;
	v16 =	vmovc v17;
	v17 =	vmov v21;
	s17 =	smov.u32 s19;
	s19 =	smov.u32 s21;
	s21 =	smov.u32 s24;
	v24 =	vld.idx.msk [tilespmem:v31+s16+$0x0], $0xffff;
	[tilespmem:s9+$0xFFFFFFD0] =	vst v23  }
.Ltmp0:
0x10d: {  	v25 =	vor.u32 s20, v8;
	v31 =	vadd.f32 v36, v34;
	v23 =	vor.u32 s17, v8;
	v20 =	vmovc v34;
	v26 =	vld.idx.msk [tilespmem:v35+s16+$0x0], $0xffff;
	[tilespmem:s18+$0xFFFFFFF0] =	vst v27;
	s18 =	smov.u32 s9;
	s9 =	smov.u32 s22;
	(pc) =	sbr.rel @p1 .LBB2_3-.Ltmp0, $4  }
0x10e: {  	s1 =	sadd.s32 $0x100, s1;
	v28 =	vor.u32 s19, v6;
	s22 =	sadd.s32 $0x1, s29;
	v29 =	vadd.f32 v29, v14;
	v27 =	vor.u32 s14, v10;
	s14 =	smov.u32 s20;
	v30 =	vld.idx.msk [tilespmem:v30+s16+$0x0], $0xffff  }
0x10f: {  	s20 =	smov.u32 s23;
	s23 =	smov.u32 s26;
	v42 =	vmov s22;
	v43 =	vadd.f32 v37, v12;
	s26 =	smov.u32 s22;
	v21 =	vld.idx.msk [tilespmem:v32+s15+$0x0], $0xffff;
	v32 =	vor.u32 s21, v4;
	[tilespmem:s1+$0x0] =	vst v31  }
0x110: {  	s24 =	smov.u32 s29;
	v35 =	vadd.f32 v33, v17;
	s22 =	smov.u32 s25;
	v36 =	vshll.u32 v42, $0x8;
	v34 =	vadd.f32 v38, v15;
	v31 =	vld.idx.msk [tilespmem:v39+s16+$0x0], $0xffff;
	[tilespmem:s25+$0x20] =	vst v29;
	s25 =	smov.u32 s1  }
0x111: {  	s29 =	sadd.s32 $0x2, s29;
	v37 =	vshll.u32 v42, $0x7;
	v36 =	vand.u32 $0x3800, v36;
	v33 =	vadd.f32 v40, v16;
	v29 =	vld.idx.msk [tilespmem:v41+s16+$0x0], $0xffff;
	[tilespmem:s9+$0x40] =	vst v43  }
0x112: {  	v19 =	vadd.s32 v19, v36;
	v63 =	vand.u32 $0x380, v37  }
0x113: {  	v40 =	vor.u32 s26, v3;
	v19 =	vor.u32 v63, v19  }
0x114: {  	v18 =	vor.u32 v18, v19;
	_ =	sdelay $0x3  }
0x115: {  	v41 =	vld.idx.msk [tilespmem:v40+s16+$0x0], $0xffff  }
0x116: {  	v18 =	vld.idx.msk [tilespmem:v18+s15+$0x0], $0xffff;
	_ =	sdelay $0x1  }
0x117: {  	v43 =	vor.u32 s24, v4  }
0x118: {  	v42 =	vor.u32 s26, v4  }
0x119: {  	[tilespmem:s1+$0xFFFFFF80] =	vst v35;
	v30 =	vadd.f32 v30, v21  }
0x11a: {  	s29 =	sadd.s32 $0x100, s1;
	v44 =	vor.u32 s23, v5;
	v32 =	vld.idx.msk [tilespmem:v32+s16+$0x0], $0xffff;
	v19 =	vadd.f32 v41, v18  }
0x11b: {  	[tilespmem:s29+$0xFFFFFF80] =	vst v30  }
0x11c: {  	v31 =	vadd.f32 v31, v20;
	v45 =	vld.idx.msk [tilespmem:v43+s16+$0x0], $0xffff;
	[tilespmem:s29+$0x0] =	vst v19  }
0x11d: {  	v46 =	vor.u32 s21, v5;
	v19 =	vld.idx.msk [tilespmem:v42+s16+$0x0], $0xffff  }
0x11e: {  	[tilespmem:s1+$0x10] =	vst v31  }
0x11f: {  	v38 =	vor.u32 s24, v5;
	v32 =	vadd.f32 v32, v17;
	v30 =	vld.idx.msk [tilespmem:v44+s16+$0x0], $0xffff  }
0x120: {  	v47 =	vor.u32 s26, v5  }
0x121: {  	[tilespmem:s1+$0xFFFFFF90] =	vst v32;
	v48 =	vadd.f32 v45, v21  }
0x122: {  	v49 =	vor.u32 s23, v6;
	v32 =	vld.idx.msk [tilespmem:v46+s16+$0x0], $0xffff;
	v19 =	vadd.f32 v19, v18  }
0x123: {  	[tilespmem:s29+$0xFFFFFF90] =	vst v48  }
0x124: {  	v30 =	vadd.f32 v30, v20;
	v50 =	vld.idx.msk [tilespmem:v38+s16+$0x0], $0xffff;
	[tilespmem:s29+$0x10] =	vst v19  }
0x125: {  	v51 =	vor.u32 s21, v6;
	v19 =	vld.idx.msk [tilespmem:v47+s16+$0x0], $0xffff  }
0x126: {  	[tilespmem:s25+$0x20] =	vst v30  }
0x127: {  	v53 =	vor.u32 s24, v6;
	[tilespmem:s22+$0xFFFFFFA0] =	vst v33;
	v32 =	vadd.f32 v32, v17;
	v30 =	vld.idx.msk [tilespmem:v49+s16+$0x0], $0xffff  }
0x128: {  	v52 =	vor.u32 s26, v6;
	v28 =	vld.idx.msk [tilespmem:v28+s16+$0x0], $0xffff  }
0x129: {  	[tilespmem:s25+$0xFFFFFFA0] =	vst v32;
	v54 =	vadd.f32 v50, v21  }
0x12a: {  	[tilespmem:s18+$0x60] =	vst v34;
	v60 =	vor.u32 s23, v7;
	v56 =	vld.idx.msk [tilespmem:v51+s16+$0x0], $0xffff;
	v19 =	vadd.f32 v19, v18  }
0x12b: {  	v24 =	vadd.f32 v24, v11;
	v58 =	vor.u32 s19, v7;
	[tilespmem:s29+$0xFFFFFFA0] =	vst v54  }
0x12c: {  	v63 =	vadd.f32 v30, v20;
	v31 =	vld.idx.msk [tilespmem:v53+s16+$0x0], $0xffff;
	[tilespmem:s29+$0x20] =	vst v19  }
0x12d: {  	v62 =	vor.u32 s21, v7;
	[tilespmem:s9+$0xFFFFFFC0] =	vst v24;
	v61 =	vadd.f32 v28, v16;
	v34 =	vld.idx.msk [tilespmem:v52+s16+$0x0], $0xffff  }
0x12e: {  	v55 =	vor.u32 s20, v7;
	v57 =	vadd.f32 v26, v13;
	v25 =	vld.idx.msk [tilespmem:v25+s16+$0x0], $0xffff;
	[tilespmem:s25+$0x30] =	vst v63  }
0x12f: {  	v59 =	vadd.f32 v29, v14;
	[tilespmem:s22+$0xFFFFFFB0] =	vst v61;
	v38 =	vor.u32 s24, v7;
	v37 =	vadd.f32 v56, v17;
	v29 =	vld.idx.msk [tilespmem:v60+s16+$0x0], $0xffff  }
0x130: {  	v36 =	vor.u32 s26, v7;
	[tilespmem:s18+$0xFFFFFFE0] =	vst v57;
	v26 =	vld.idx.msk [tilespmem:v58+s16+$0x0], $0xffff  }
0x131: {  	v27 =	vld.idx.msk [tilespmem:v27+s16+$0x0], $0xffff;
	[tilespmem:s25+$0xFFFFFFB0] =	vst v37;
	v40 =	vadd.f32 v31, v21  }
0x132: {  	[tilespmem:s22+$0x30] =	vst v59;
	v45 =	vor.u32 s23, v8;
	v28 =	vld.idx.msk [tilespmem:v62+s16+$0x0], $0xffff;
	v39 =	vadd.f32 v34, v18  }
0x133: {  	v25 =	vadd.f32 v25, v12;
	v42 =	vor.u32 s19, v8;
	v32 =	vld.idx.msk [tilespmem:v55+s16+$0x0], $0xffff;
	[tilespmem:s29+$0xFFFFFFB0] =	vst v40  }
0x134: {  	v49 =	vadd.f32 v29, v20;
	v46 =	vld.idx.msk [tilespmem:v38+s16+$0x0], $0xffff;
	[tilespmem:s29+$0x30] =	vst v39  }
0x135: {  	[tilespmem:s9+$0x50] =	vst v25;
	v48 =	vor.u32 s21, v8;
	v47 =	vadd.f32 v26, v16;
	v43 =	vld.idx.msk [tilespmem:v36+s16+$0x0], $0xffff  }
0x136: {  	v23 =	vld.idx.msk [tilespmem:v23+s16+$0x0], $0xffff;
	v15 =	vadd.f32 v27, v15;
	v41 =	vor.u32 s20, v8;
	[tilespmem:s25+$0x40] =	vst v49  }
0x137: {  	[tilespmem:s22+$0xFFFFFFC0] =	vst v47;
	v51 =	vadd.f32 v28, v17;
	v25 =	vld.idx.msk [tilespmem:v45+s16+$0x0], $0xffff;
	v52 =	vor.u32 s24, v8  }
0x138: {  	[tilespmem:s18+$0x70] =	vst v15;
	v50 =	vor.u32 s26, v8;
	v44 =	vadd.f32 v32, v14;
	v24 =	vld.idx.msk [tilespmem:v42+s16+$0x0], $0xffff  }
0x139: {  	v22 =	vld.idx.msk [tilespmem:v22+s16+$0x0], $0xffff;
	v55 =	vor.u32 s17, v9;
	[tilespmem:s25+$0xFFFFFFC0] =	vst v51;
	v56 =	vadd.f32 v46, v21  }
0x13a: {  	[tilespmem:s22+$0x40] =	vst v44;
	v62 =	vor.u32 s23, v9;
	v26 =	vld.idx.msk [tilespmem:v48+s16+$0x0], $0xffff;
	v54 =	vadd.f32 v43, v18  }
0x13b: {  	v59 =	vor.u32 s19, v9;
	v23 =	vadd.f32 v23, v11;
	v31 =	vld.idx.msk [tilespmem:v41+s16+$0x0], $0xffff;
	[tilespmem:s29+$0xFFFFFFC0] =	vst v56  }
0x13c: {  	v53 =	vor.u32 s14, v9;
	v35 =	vadd.f32 v25, v20;
	v28 =	vld.idx.msk [tilespmem:v52+s16+$0x0], $0xffff;
	[tilespmem:s29+$0x40] =	vst v54  }
0x13d: {  	[tilespmem:s9+$0xFFFFFFD0] =	vst v23;
	v33 =	vadd.f32 v24, v16;
	v34 =	vor.u32 s21, v9;
	v60 =	vld.idx.msk [tilespmem:v50+s16+$0x0], $0xffff  }
0x13e: {  	v57 =	vor.u32 s20, v9;
	v58 =	vadd.f32 v22, v13;
	v27 =	vld.idx.msk [tilespmem:v55+s16+$0x0], $0xffff;
	[tilespmem:s25+$0x50] =	vst v35  }
0x13f: {  	v38 =	vor.u32 s24, v9;
	[tilespmem:s22+$0xFFFFFFD0] =	vst v33;
	v37 =	vadd.f32 v26, v17;
	v23 =	vld.idx.msk [tilespmem:v62+s16+$0x0], $0xffff  }
0x140: {  	[tilespmem:s18+$0xFFFFFFF0] =	vst v58;
	v61 =	vadd.f32 v31, v14;
	v19 =	vld.idx.msk [tilespmem:v59+s16+$0x0], $0xffff;
	v36 =	vor.u32 s26, v9  }
0x141: {  	v63 =	vld.idx.msk [tilespmem:v53+s16+$0x0], $0xffff;
	v41 =	vor.u32 s17, v10;
	[tilespmem:s25+$0xFFFFFFD0] =	vst v37;
	v42 =	vadd.f32 v28, v21  }
0x142: {  	[tilespmem:s22+$0x50] =	vst v61;
	v48 =	vor.u32 s23, v10;
	v24 =	vld.idx.msk [tilespmem:v34+s16+$0x0], $0xffff;
	v40 =	vadd.f32 v60, v18  }
0x143: {  	v45 =	vadd.f32 v27, v11;
	v30 =	vld.idx.msk [tilespmem:v57+s16+$0x0], $0xffff;
	v46 =	vor.u32 s19, v10;
	[tilespmem:s29+$0xFFFFFFD0] =	vst v42  }
0x144: {  	v39 =	vor.u32 s14, v10;
	v52 =	vadd.f32 v23, v20;
	v26 =	vld.idx.msk [tilespmem:v38+s16+$0x0], $0xffff;
	[tilespmem:s29+$0x50] =	vst v40  }
0x145: {  	[tilespmem:s9+$0xFFFFFFE0] =	vst v45;
	v51 =	vor.u32 s21, v10;
	v50 =	vadd.f32 v19, v16;
	v25 =	vld.idx.msk [tilespmem:v36+s16+$0x0], $0xffff  }
0x146: {  	v44 =	vor.u32 s20, v10;
	v22 =	vld.idx.msk [tilespmem:v41+s16+$0x0], $0xffff;
	v43 =	vadd.f32 v63, v12;
	[tilespmem:s25+$0x60] =	vst v52  }
0x147: {  	v55 =	vor.u32 s24, v10;
	v54 =	vadd.f32 v24, v17;
	v57 =	vld.idx.msk [tilespmem:v48+s16+$0x0], $0xffff;
	[tilespmem:s22+$0xFFFFFFE0] =	vst v50  }
0x148: {  	v53 =	vor.u32 s26, v10;
	v47 =	vadd.f32 v30, v14;
	[tilespmem:s9+$0x60] =	vst v43;
	v27 =	vld.idx.msk [tilespmem:v46+s16+$0x0], $0xffff  }
0x149: {  	v49 =	vld.idx.msk [tilespmem:v39+s16+$0x0], $0xffff;
	[tilespmem:s25+$0xFFFFFFE0] =	vst v54;
	v58 =	vadd.f32 v26, v21  }
0x14a: {  	[tilespmem:s22+$0x60] =	vst v47;
	v19 =	vld.idx.msk [tilespmem:v51+s16+$0x0], $0xffff;
	v56 =	vadd.f32 v25, v18  }
0x14b: {  	v11 =	vadd.f32 v22, v11;
	v29 =	vld.idx.msk [tilespmem:v44+s16+$0x0], $0xffff;
	[tilespmem:s29+$0xFFFFFFE0] =	vst v58  }
0x14c: {  	v62 =	vadd.f32 v57, v20;
	v61 =	vld.idx.msk [tilespmem:v55+s16+$0x0], $0xffff;
	[tilespmem:s29+$0x60] =	vst v56  }
0x14d: {  	[tilespmem:s9+$0xFFFFFFF0] =	vst v11;
	v11 =	vadd.f32 v27, v16;
	v13 =	vld.idx.msk [tilespmem:v53+s16+$0x0], $0xffff  }
0x14e: {  	v59 =	vadd.f32 v49, v12;
	[tilespmem:s25+$0x70] =	vst v62  }
0x14f: {  	[tilespmem:s22+$0xFFFFFFF0] =	vst v11;
	v11 =	vadd.f32 v19, v17  }
0x150: {  	p1 =	sne.s32 s10, $0x18;
	v60 =	vadd.f32 v29, v14;
	[tilespmem:s9+$0x70] =	vst v59  }
.Ltmp1:
0x151: {  	s26 =	sshll.u32 s11, $0x10;
	[tilespmem:s25+$0xFFFFFFF0] =	vst v11;
	v11 =	vadd.f32 v61, v21;
	(pc) =	sbr.rel @p1 .LBB2_6-.Ltmp1, $4  }
0x152: {  	s1 =	sor.u32 s7, s26;
	[tilespmem:s22+$0x70] =	vst v60;
	v63 =	vadd.f32 v13, v18  }
0x153: {  	s1 =	sshrl.u32 s1, $0x3;
	[tilespmem:s29+$0xFFFFFFF0] =	vst v11  }
0x154: {  	s1 =	sadd.s32 s2, s1;
	[tilespmem:s29+$0x70] =	vst v63;
	s29 =	simm.s32 $0x1A400  }
0x155: {  	[hbm4b:s1+s12] =	stream.strided.scatter [tilespmem:s29], [sflag:$0x3], $0x2000, s13, s12, $0x38;
	[tilespmem:$0x1E400] =	vst v63  }
.Ltmp2:
0x156: {  	(pc) =	sbr.rel .LBB2_7-.Ltmp2, $4  }
0x157: {  	_ = 	snop  }
0x158: {  	_ =	swait.ge [sflag:s30], $0x4000  }
0x159: {  	[sflag:s30] =	ssyncset.done $0x0  }
0x15a: {  	[sflag:s30] =	ssyncadd.s32 $0xFFFFC000  }
.LBB2_6:
0x15b: {  	s1 =	rddreg [dreg:$0x7]  }
0x15c: {  	s1 =	sadd.s32 s8, s1  }
0x15d: {  	s1 =	sshll.u32 s1, $0x7  }
0x15e: {  	s1 =	sand.u32 $0x3FFFFF80, s1  }
0x15f: {  	v11 =	vld [tilespmem:s1+$0x0];
	_ =	sdelay $0x4  }
0x160: {  	v12 =	vperm.xlane v11, v0;
	_ =	sdelay $0x1  }
0x161: {  	v11 =	vperm.xlane v11, v2;
	v12 =	vadd.s32 v1, v12;
	_ =	sdelay $0x1  }
0x162: {  	v11 =	vadd.s32 v1, v11;
	_ =	sdelay $0x2  }
0x163: {  	[tilespmem:s16], [sflag:$0x1] =	stream.indirect_vreg.gather [hbm4b:s5+s3], $0x80, v12, vm0, $0xb8;
	[tilespmem:$0x1E400] =	vst v63  }
0x164: {  	s29 =	simm.s32 $0xAC00  }
0x165: {  	[tilespmem:s29], [sflag:$0x1] =	stream.indirect_vreg.gather [hbm4b:s5+s3], $0x80, v11, vm0, $0xb8;
	[tilespmem:$0x1E400] =	vst v63  }
0x166: {  	v11 =	vld [tilespmem:s1+$0x10];
	_ =	sdelay $0x4  }
0x167: {  	v57 =	vperm.xlane v11, v0;
	_ =	sdelay $0x1  }
0x168: {  	v11 =	vperm.xlane v11, v2;
	v12 =	vadd.s32 v1, v57;
	_ =	sdelay $0x1  }
0x169: {  	v11 =	vadd.s32 v1, v11;
	_ =	sdelay $0x1  }
0x16a: {  	s9 =	simm.s32 $0xB400  }
0x16b: {  	[tilespmem:s9], [sflag:$0x1] =	stream.indirect_vreg.gather [hbm4b:s5+s3], $0x80, v12, vm0, $0xb8;
	[tilespmem:$0x1E400] =	vst v63  }
0x16c: {  	s11 =	simm.s32 $0xBC00  }
0x16d: {  	[tilespmem:s11], [sflag:$0x1] =	stream.indirect_vreg.gather [hbm4b:s5+s3], $0x80, v11, vm0, $0xb8;
	[tilespmem:$0x1E400] =	vst v63  }
0x16e: {  	v11 =	vld [tilespmem:s1+$0x20];
	_ =	sdelay $0x4  }
0x16f: {  	v58 =	vperm.xlane v11, v0;
	_ =	sdelay $0x1  }
0x170: {  	v11 =	vperm.xlane v11, v2;
	v12 =	vadd.s32 v1, v58;
	_ =	sdelay $0x1  }
0x171: {  	v11 =	vadd.s32 v1, v11;
	_ =	sdelay $0x1  }
0x172: {  	s14 =	simm.s32 $0xC400  }
0x173: {  	[tilespmem:s14], [sflag:$0x1] =	stream.indirect_vreg.gather [hbm4b:s5+s3], $0x80, v12, vm0, $0xb8;
	[tilespmem:$0x1E400] =	vst v63  }
0x174: {  	s17 =	simm.s32 $0xCC00  }
0x175: {  	[tilespmem:s17], [sflag:$0x1] =	stream.indirect_vreg.gather [hbm4b:s5+s3], $0x80, v11, vm0, $0xb8;
	[tilespmem:$0x1E400] =	vst v63  }
0x176: {  	v11 =	vld [tilespmem:s1+$0x30];
	_ =	sdelay $0x4  }
0x177: {  	v59 =	vperm.xlane v11, v0;
	_ =	sdelay $0x1  }
0x178: {  	v11 =	vperm.xlane v11, v2;
	v12 =	vadd.s32 v1, v59;
	_ =	sdelay $0x1  }
0x179: {  	v11 =	vadd.s32 v1, v11;
	_ =	sdelay $0x1  }
0x17a: {  	s18 =	simm.s32 $0xD400  }
0x17b: {  	[tilespmem:s18], [sflag:$0x1] =	stream.indirect_vreg.gather [hbm4b:s5+s3], $0x80, v12, vm0, $0xb8;
	[tilespmem:$0x1E400] =	vst v63  }
0x17c: {  	s19 =	simm.s32 $0xDC00  }
0x17d: {  	[tilespmem:s19], [sflag:$0x1] =	stream.indirect_vreg.gather [hbm4b:s5+s3], $0x80, v11, vm0, $0xb8;
	[tilespmem:$0x1E400] =	vst v63  }
0x17e: {  	v11 =	vld [tilespmem:s1+$0x40];
	_ =	sdelay $0x4  }
0x17f: {  	v60 =	vperm.xlane v11, v0;
	_ =	sdelay $0x1  }
0x180: {  	v11 =	vperm.xlane v11, v2;
	v12 =	vadd.s32 v1, v60;
	_ =	sdelay $0x1  }
0x181: {  	v11 =	vadd.s32 v1, v11;
	_ =	sdelay $0x1  }
0x182: {  	s20 =	simm.s32 $0xE400  }
0x183: {  	[tilespmem:s20], [sflag:$0x1] =	stream.indirect_vreg.gather [hbm4b:s5+s3], $0x80, v12, vm0, $0xb8;
	[tilespmem:$0x1E400] =	vst v63  }
0x184: {  	s21 =	simm.s32 $0xEC00  }
0x185: {  	[tilespmem:s21], [sflag:$0x1] =	stream.indirect_vreg.gather [hbm4b:s5+s3], $0x80, v11, vm0, $0xb8;
	[tilespmem:$0x1E400] =	vst v63  }
0x186: {  	v11 =	vld [tilespmem:s1+$0x50];
	_ =	sdelay $0x4  }
0x187: {  	v61 =	vperm.xlane v11, v0;
	_ =	sdelay $0x1  }
0x188: {  	v11 =	vperm.xlane v11, v2;
	v12 =	vadd.s32 v1, v61;
	_ =	sdelay $0x1  }
0x189: {  	v11 =	vadd.s32 v1, v11;
	_ =	sdelay $0x1  }
0x18a: {  	s22 =	simm.s32 $0xF400  }
0x18b: {  	[tilespmem:s22], [sflag:$0x1] =	stream.indirect_vreg.gather [hbm4b:s5+s3], $0x80, v12, vm0, $0xb8;
	[tilespmem:$0x1E400] =	vst v63  }
0x18c: {  	s23 =	simm.s32 $0xFC00  }
0x18d: {  	[tilespmem:s23], [sflag:$0x1] =	stream.indirect_vreg.gather [hbm4b:s5+s3], $0x80, v11, vm0, $0xb8;
	[tilespmem:$0x1E400] =	vst v63  }
0x18e: {  	v11 =	vld [tilespmem:s1+$0x60];
	_ =	sdelay $0x4  }
0x18f: {  	v62 =	vperm.xlane v11, v0;
	_ =	sdelay $0x1  }
0x190: {  	v11 =	vperm.xlane v11, v2;
	v12 =	vadd.s32 v1, v62;
	_ =	sdelay $0x1  }
0x191: {  	v11 =	vadd.s32 v1, v11;
	_ =	sdelay $0x1  }
0x192: {  	s24 =	simm.s32 $0x10400  }
0x193: {  	[tilespmem:s24], [sflag:$0x1] =	stream.indirect_vreg.gather [hbm4b:s5+s3], $0x80, v12, vm0, $0xb8;
	[tilespmem:$0x1E400] =	vst v63  }
0x194: {  	s25 =	simm.s32 $0x10C00  }
0x195: {  	[tilespmem:s25], [sflag:$0x1] =	stream.indirect_vreg.gather [hbm4b:s5+s3], $0x80, v11, vm0, $0xb8;
	[tilespmem:$0x1E400] =	vst v63  }
0x196: {  	v11 =	vld [tilespmem:s1+$0x70];
	_ =	sdelay $0x4  }
0x197: {  	v63 =	vperm.xlane v11, v0;
	_ =	sdelay $0x1  }
0x198: {  	v11 =	vperm.xlane v11, v2;
	v12 =	vadd.s32 v1, v63;
	_ =	sdelay $0x1  }
0x199: {  	v11 =	vadd.s32 v1, v11;
	_ =	sdelay $0x1  }
0x19a: {  	s26 =	simm.s32 $0x11400  }
0x19b: {  	[tilespmem:s26], [sflag:$0x1] =	stream.indirect_vreg.gather [hbm4b:s5+s3], $0x80, v12, vm0, $0xb8;
	[tilespmem:$0x1E400] =	vst v63  }
.Ltmp3:
0x19c: {  	s29 =	simm.s32 $0x11C00;
	(pc) =	sbr.rel @p0 .LBB2_8-.Ltmp3, $4  }
0x19d: {  	[tilespmem:s29], [sflag:$0x1] =	stream.indirect_vreg.gather [hbm4b:s5+s3], $0x80, v11, vm0, $0xb8;
	[tilespmem:$0x1E400] =	vst v63  }
0x19e: {  	_ =	swait.ge [sflag:s30], $0x4000  }
0x19f: {  	[sflag:s30] =	ssyncset.done $0x0  }
0x1a0: {  	[sflag:s30] =	ssyncadd.s32 $0xFFFFC000  }
.LBB2_7:
0x1a1: {  	_ =	swait.ge [sflag:s31], $0x2000  }
0x1a2: {  	[sflag:s31] =	ssyncset.done $0x0  }
0x1a3: {  	[sflag:s31] =	ssyncadd.s32 $0xFFFFE000  }
.LBB2_8:
0x1a4: {  	s23 =	simm.s32 $0x1  }
0x1a5: {  	v11 =	vmov s0;
	v12 =	vmov s23  }
0x1a6: {  	v13 =	vshll.u32 v11, $0x3;
	v18 =	vand.u32 $0x7F, v11;
	v14 =	vshll.u32 v12, $0x8  }
0x1a7: {  	s24 =	simm.s32 $0x0;
	v19 =	vand.u32 $0x7FFFFC00, v13;
	v12 =	vshll.u32 v12, $0x7;
	v13 =	vand.u32 $0x3800, v14  }
0x1a8: {  	v12 =	vand.u32 $0x380, v12;
	v11 =	vadd.s32 v19, v13;
	v13 =	vmov s24  }
0x1a9: {  	v11 =	vor.u32 v12, v11;
	v12 =	vor.u32 s23, v3;
	v14 =	vshll.u32 v13, $0x8  }
0x1aa: {  	v13 =	vshll.u32 v13, $0x7;
	v11 =	vor.u32 v18, v11;
	v14 =	vand.u32 $0x3800, v14  }
0x1ab: {  	v13 =	vand.u32 $0x300, v13;
	v14 =	vadd.s32 v19, v14  }
0x1ac: {  	v13 =	vor.u32 v13, v14;
	v14 =	vor.u32 s24, v3  }
0x1ad: {  	v13 =	vor.u32 v18, v13  }
0x1ae: {  	v12 =	vld.idx.msk [tilespmem:v12+s4+$0x0], $0xffff  }
0x1af: {  	v15 =	vld.idx.msk [tilespmem:v11+s15+$0x0], $0xffff;
	_ =	sdelay $0x1  }
0x1b0: {  	v11 =	vld.idx.msk [tilespmem:v14+s4+$0x0], $0xffff  }
0x1b1: {  	v14 =	vor.u32 s23, v4;
	v13 =	vld.idx.msk [tilespmem:v13+s15+$0x0], $0xffff  }
0x1b2: {  	s8 =	simm.s32 $0x3  }
0x1b3: {  	v16 =	vmov s8;
	v12 =	vadd.f32 v12, v15  }
0x1b4: {  	s14 =	simm.s32 $0x1C480;
	v20 =	vor.u32 s24, v4;
	v17 =	vshll.u32 v16, $0x8;
	v16 =	vshll.u32 v16, $0x7  }
0x1b5: {  	s11 =	simm.s32 $0x2;
	v16 =	vand.u32 $0x380, v16;
	[tilespmem:s14+$0x0] =	vst v12;
	v12 =	vand.u32 $0x3800, v17  }
0x1b6: {  	v17 =	vmov s11;
	v14 =	vld.idx.msk [tilespmem:v14+s4+$0x0], $0xffff;
	v12 =	vadd.s32 v19, v12;
	v11 =	vadd.f32 v11, v13  }
0x1b7: {  	v21 =	vshll.u32 v17, $0x8;
	v12 =	vor.u32 v16, v12;
	v16 =	vor.u32 s8, v3  }
0x1b8: {  	v17 =	vshll.u32 v17, $0x7;
	v21 =	vand.u32 $0x3800, v21;
	v12 =	vor.u32 v18, v12;
	[tilespmem:s14+$0xFFFFFF80] =	vst v11  }
0x1b9: {  	v17 =	vand.u32 $0x300, v17;
	v11 =	vor.u32 s23, v5;
	v21 =	vadd.s32 v19, v21;
	v20 =	vld.idx.msk [tilespmem:v20+s4+$0x0], $0xffff  }
0x1ba: {  	v17 =	vor.u32 v17, v21;
	v21 =	vor.u32 s11, v3  }
0x1bb: {  	v17 =	vor.u32 v18, v17;
	v14 =	vadd.f32 v14, v15  }
0x1bc: {  	v22 =	vor.u32 s24, v5;
	v16 =	vld.idx.msk [tilespmem:v16+s4+$0x0], $0xffff  }
0x1bd: {  	[tilespmem:s14+$0x10] =	vst v14;
	v12 =	vld.idx.msk [tilespmem:v12+s15+$0x0], $0xffff  }
0x1be: {  	v14 =	vld.idx.msk [tilespmem:v11+s4+$0x0], $0xffff;
	v20 =	vadd.f32 v20, v13  }
0x1bf: {  	v21 =	vld.idx.msk [tilespmem:v21+s4+$0x0], $0xffff  }
0x1c0: {  	s18 =	simm.s32 $0x5;
	v11 =	vld.idx.msk [tilespmem:v17+s15+$0x0], $0xffff;
	v17 =	vor.u32 s8, v4;
	[tilespmem:s14+$0xFFFFFF90] =	vst v20  }
0x1c1: {  	v23 =	vor.u32 s23, v6;
	v24 =	vmov s18;
	v26 =	vor.u32 s11, v4;
	v22 =	vld.idx.msk [tilespmem:v22+s4+$0x0], $0xffff  }
0x1c2: {  	v27 =	vor.u32 s24, v6;
	v25 =	vshll.u32 v24, $0x8;
	v16 =	vadd.f32 v16, v12  }
0x1c3: {  	s17 =	simm.s32 $0x4;
	s9 =	simm.s32 $0x1C580;
	v24 =	vshll.u32 v24, $0x7;
	v25 =	vand.u32 $0x3800, v25;
	v14 =	vadd.f32 v14, v15  }
0x1c4: {  	v24 =	vand.u32 $0x380, v24;
	v20 =	vmov s17;
	[tilespmem:s9+$0x0] =	vst v16;
	v16 =	vadd.s32 v19, v25  }
0x1c5: {  	v21 =	vadd.f32 v21, v11;
	v17 =	vld.idx.msk [tilespmem:v17+s4+$0x0], $0xffff;
	[tilespmem:s14+$0x20] =	vst v14;
	v14 =	vor.u32 v24, v16;
	v16 =	vor.u32 s18, v3  }
0x1c6: {  	v24 =	vshll.u32 v20, $0x8;
	v22 =	vadd.f32 v22, v13;
	v23 =	vld.idx.msk [tilespmem:v23+s4+$0x0], $0xffff;
	v14 =	vor.u32 v18, v14  }
0x1c7: {  	v25 =	vor.u32 s17, v3;
	v20 =	vshll.u32 v20, $0x7;
	v24 =	vand.u32 $0x3800, v24;
	[tilespmem:s9+$0xFFFFFF80] =	vst v21  }
0x1c8: {  	s19 =	simm.s32 $0x6;
	v20 =	vand.u32 $0x300, v20;
	v21 =	vadd.s32 v19, v24;
	v24 =	vld.idx.msk [tilespmem:v26+s4+$0x0], $0xffff;
	[tilespmem:s14+$0xFFFFFFA0] =	vst v22;
	v22 =	vor.u32 s8, v5  }
0x1c9: {  	v26 =	vor.u32 s23, v7;
	v20 =	vor.u32 v20, v21;
	v21 =	vld.idx.msk [tilespmem:v27+s4+$0x0], $0xffff;
	v27 =	vmov s19  }
0x1ca: {  	v20 =	vor.u32 v18, v20;
	v17 =	vadd.f32 v17, v12;
	v28 =	vshll.u32 v27, $0x8;
	v29 =	vld.idx.msk [tilespmem:v16+s4+$0x0], $0xffff  }
0x1cb: {  	v16 =	vadd.f32 v23, v15;
	v23 =	vor.u32 s11, v5;
	v28 =	vand.u32 $0x3800, v28;
	v14 =	vld.idx.msk [tilespmem:v14+s15+$0x0], $0xffff  }
0x1cc: {  	v30 =	vor.u32 s24, v7;
	v25 =	vld.idx.msk [tilespmem:v25+s4+$0x0], $0xffff;
	[tilespmem:s9+$0x10] =	vst v17;
	v17 =	vshll.u32 v27, $0x7;
	v27 =	vadd.s32 v19, v28  }
0x1cd: {  	[tilespmem:s14+$0x30] =	vst v16;
	v16 =	vand.u32 $0x300, v17;
	v17 =	vadd.f32 v24, v11;
	v22 =	vld.idx.msk [tilespmem:v22+s4+$0x0], $0xffff;
	v24 =	vor.u32 s19, v3  }
0x1ce: {  	v28 =	vor.u32 s18, v4;
	v27 =	vor.u32 v16, v27;
	v21 =	vadd.f32 v21, v13;
	v26 =	vld.idx.msk [tilespmem:v26+s4+$0x0], $0xffff  }
0x1cf: {  	v16 =	vld.idx.msk [tilespmem:v20+s15+$0x0], $0xffff;
	v20 =	vor.u32 v18, v27;
	[tilespmem:s9+$0xFFFFFF90] =	vst v17  }
0x1d0: {  	s21 =	simm.s32 $0x7;
	v31 =	vor.u32 s11, v6;
	v23 =	vld.idx.msk [tilespmem:v23+s4+$0x0], $0xffff;
	[tilespmem:s14+$0xFFFFFFB0] =	vst v21;
	v21 =	vor.u32 s8, v6;
	v17 =	vadd.f32 v29, v14  }
0x1d1: {  	s20 =	simm.s32 $0x1C680;
	v32 =	vmov s21;
	v27 =	vor.u32 s24, v8;
	v29 =	vld.idx.msk [tilespmem:v30+s4+$0x0], $0xffff;
	v30 =	vor.u32 s23, v8  }
0x1d2: {  	v33 =	vld.idx.msk [tilespmem:v24+s4+$0x0], $0xffff;
	v22 =	vadd.f32 v22, v12;
	v24 =	vor.u32 s17, v4;
	[tilespmem:s20+$0x0] =	vst v17;
	v17 =	vshll.u32 v32, $0x8  }
0x1d3: {  	v32 =	vshll.u32 v32, $0x7;
	v26 =	vadd.f32 v26, v15;
	v28 =	vld.idx.msk [tilespmem:v28+s4+$0x0], $0xffff;
	v34 =	vand.u32 $0x3800, v17  }
0x1d4: {  	v17 =	vld.idx.msk [tilespmem:v20+s15+$0x0], $0xffff;
	v20 =	vadd.f32 v25, v16;
	[tilespmem:s9+$0x20] =	vst v22;
	v22 =	vadd.s32 v19, v34;
	v25 =	vand.u32 $0x380, v32  }
0x1d5: {  	v23 =	vadd.f32 v23, v11;
	v21 =	vld.idx.msk [tilespmem:v21+s4+$0x0], $0xffff;
	[tilespmem:s14+$0x40] =	vst v26;
	v22 =	vor.u32 v25, v22;
	v25 =	vor.u32 s21, v3  }
0x1d6: {  	s22 =	simm.s32 $0x8;
	v26 =	vadd.f32 v29, v13;
	v29 =	vld.idx.msk [tilespmem:v30+s4+$0x0], $0xffff;
	[tilespmem:s20+$0xFFFFFF80] =	vst v20;
	v20 =	vor.u32 v18, v22  }
0x1d7: {  	v60 =	vmov s22;
	v22 =	vld.idx.msk [tilespmem:v24+s4+$0x0], $0xffff;
	[tilespmem:s9+$0xFFFFFFA0] =	vst v23;
	v23 =	vor.u32 s18, v5  }
0x1d8: {  	v61 =	vor.u32 s23, v9;
	v30 =	vor.u32 s8, v7;
	v24 =	vld.idx.msk [tilespmem:v31+s4+$0x0], $0xffff;
	[tilespmem:s14+$0xFFFFFFC0] =	vst v26  }
0x1d9: {  	v36 =	vor.u32 s17, v5;
	v35 =	vshll.u32 v60, $0x8;
	v28 =	vadd.f32 v28, v14;
	v27 =	vld.idx.msk [tilespmem:v27+s4+$0x0], $0xffff  }
0x1da: {  	v32 =	vshll.u32 v60, $0x7;
	v26 =	vor.u32 s24, v9;
	v21 =	vadd.f32 v21, v12;
	v25 =	vld.idx.msk [tilespmem:v25+s4+$0x0], $0xffff  }
0x1db: {  	v31 =	vor.u32 s11, v7;
	[tilespmem:s20+$0x10] =	vst v28;
	v28 =	vadd.f32 v29, v15;
	v29 =	vand.u32 $0x3800, v35;
	v20 =	vld.idx.msk [tilespmem:v20+s15+$0x0], $0xffff  }
0x1dc: {  	[tilespmem:s9+$0x30] =	vst v21;
	v21 =	vadd.s32 v19, v29;
	v29 =	vand.u32 $0x300, v32;
	v22 =	vadd.f32 v22, v16;
	v62 =	vld.idx.msk [tilespmem:v23+s4+$0x0], $0xffff  }
0x1dd: {  	[tilespmem:s14+$0x50] =	vst v28;
	v21 =	vor.u32 v29, v21;
	v28 =	vor.u32 s22, v3;
	v23 =	vadd.f32 v24, v11;
	v29 =	vld.idx.msk [tilespmem:v30+s4+$0x0], $0xffff  }
0x1de: {  	v21 =	vor.u32 v18, v21;
	[tilespmem:s20+$0xFFFFFF90] =	vst v22;
	v22 =	vadd.f32 v27, v13;
	v34 =	vld.idx.msk [tilespmem:v61+s4+$0x0], $0xffff  }
0x1df: {  	v37 =	vor.u32 s21, v4;
	v38 =	vld.idx.msk [tilespmem:v36+s4+$0x0], $0xffff;
	[tilespmem:s9+$0xFFFFFFB0] =	vst v23  }
0x1e0: {  	v39 =	vor.u32 s18, v6;
	v35 =	vadd.f32 v33, v17;
	v24 =	vld.idx.msk [tilespmem:v31+s4+$0x0], $0xffff;
	[tilespmem:s14+$0xFFFFFFD0] =	vst v22  }
0x1e1: {  	v32 =	vor.u32 s19, v4;
	v31 =	vadd.f32 v25, v20;
	v25 =	vor.u32 s8, v8;
	v26 =	vld.idx.msk [tilespmem:v26+s4+$0x0], $0xffff  }
0x1e2: {  	s1 =	simm.s32 $0x1C780;
	v27 =	vor.u32 s23, v10;
	v22 =	vor.u32 s24, v10;
	s24 =	simm.s32 $0x9;
	v63 =	vadd.f32 v62, v14;
	v30 =	vld.idx.msk [tilespmem:v28+s4+$0x0], $0xffff  }
0x1e3: {  	v23 =	vor.u32 s11, v8;
	v40 =	vmov s24;
	[tilespmem:s1+$0x0] =	vst v31;
	v41 =	vadd.f32 v29, v12;
	v21 =	vld.idx.msk [tilespmem:v21+s15+$0x0], $0xffff  }
0x1e4: {  	v28 =	vor.u32 s17, v6;
	v29 =	vshll.u32 v40, $0x8;
	v31 =	vld.idx.msk [tilespmem:v37+s4+$0x0], $0xffff;
	[tilespmem:s20+$0x20] =	vst v63;
	v34 =	vadd.f32 v34, v15  }
0x1e5: {  	s25 =	simm.s32 $0xA;
	s23 =	simm.s32 $0x1C780;
	v36 =	vand.u32 $0x3800, v29;
	v37 =	vshll.u32 v40, $0x7;
	v33 =	vadd.f32 v38, v16;
	v29 =	vld.idx.msk [tilespmem:v39+s4+$0x0], $0xffff;
	[tilespmem:s9+$0x40] =	vst v41  }
.LBB2_9:
0x1e6: {  	p0 =	slt.u32 s25, $0x3E;
	v36 =	vadd.s32 v19, v36;
	v37 =	vand.u32 $0x380, v37;
	v24 =	vadd.f32 v24, v11;
	v25 =	vld.idx.msk [tilespmem:v25+s4+$0x0], $0xffff;
	[tilespmem:s14+$0x60] =	vst v34  }
0x1e7: {  	v26 =	vadd.f32 v26, v13;
	v34 =	vor.u32 v37, v36;
	v36 =	vor.u32 s24, v3;
	[tilespmem:s1+$0xFFFFFF80] =	vst v35;
	v27 =	vld.idx.msk [tilespmem:v27+s4+$0x0], $0xffff  }
0x1e8: {  	v34 =	vor.u32 v18, v34;
	v32 =	vld.idx.msk [tilespmem:v32+s4+$0x0], $0xffff;
	[tilespmem:s20+$0xFFFFFFA0] =	vst v33;
	v33 =	vmov v30  }
0x1e9: {  	v35 =	vor.u32 s11, v9;
	v30 =	vor.u32 s21, v5;
	v28 =	vld.idx.msk [tilespmem:v28+s4+$0x0], $0xffff;
	[tilespmem:s9+$0xFFFFFFC0] =	vst v24  }
0x1ea: {  	v37 =	vor.u32 s18, v7;
	v24 =	vadd.f32 v31, v20;
	v31 =	vor.u32 s17, v7;
	v23 =	vld.idx.msk [tilespmem:v23+s4+$0x0], $0xffff;
	[tilespmem:s14+$0xFFFFFFE0] =	vst v26  }
0x1eb: {  	v38 =	vor.u32 s8, v9;
	v26 =	vmov s25;
	v29 =	vadd.f32 v29, v14;
	v22 =	vld.idx.msk [tilespmem:v22+s4+$0x0], $0xffff  }
0x1ec: {  	v40 =	vor.u32 s19, v5;
	v39 =	vshll.u32 v26, $0x8;
	v36 =	vld.idx.msk [tilespmem:v36+s4+$0x0], $0xffff;
	[tilespmem:s1+$0x10] =	vst v24;
	v24 =	vadd.f32 v25, v12  }
0x1ed: {  	v26 =	vshll.u32 v26, $0x7;
	v25 =	vand.u32 $0x3800, v39;
	v27 =	vadd.f32 v27, v15;
	v15 =	vmovc v12;
	v34 =	vld.idx.msk [tilespmem:v34+s15+$0x0], $0xffff;
	[tilespmem:s20+$0x30] =	vst v29  }
0x1ee: {  	v39 =	vadd.s32 v19, v25;
	v25 =	vand.u32 $0x300, v26;
	v26 =	vadd.f32 v32, v17;
	v29 =	vld.idx.msk [tilespmem:v30+s4+$0x0], $0xffff;
	[tilespmem:s9+$0x50] =	vst v24  }
0x1ef: {  	v25 =	vor.u32 v25, v39;
	v30 =	vor.u32 s25, v3;
	v24 =	vadd.f32 v28, v16;
	v37 =	vld.idx.msk [tilespmem:v37+s4+$0x0], $0xffff;
	[tilespmem:s14+$0x70] =	vst v27  }
0x1f0: {  	v12 =	vmov v14;
	v32 =	vor.u32 v18, v25;
	v23 =	vadd.f32 v23, v11;
	[tilespmem:s1+$0xFFFFFF90] =	vst v26;
	v38 =	vld.idx.msk [tilespmem:v38+s4+$0x0], $0xffff  }
0x1f1: {  	v14 =	vmovc v20;
	v39 =	vor.u32 s24, v4;
	v27 =	vadd.f32 v22, v13;
	v13 =	vmov v11;
	v40 =	vld.idx.msk [tilespmem:v40+s4+$0x0], $0xffff;
	[tilespmem:s20+$0xFFFFFFB0] =	vst v24  }
0x1f2: {  	v41 =	vor.u32 s21, v6;
	v22 =	vor.u32 s11, v10;
	v11 =	vmovc v16;
	v16 =	vmovc v17;
	v17 =	vmov v21;
	s11 =	smov.u32 s17;
	s17 =	smov.u32 s19;
	s19 =	smov.u32 s22;
	v24 =	vld.idx.msk [tilespmem:v31+s4+$0x0], $0xffff;
	[tilespmem:s9+$0xFFFFFFD0] =	vst v23  }
.Ltmp4:
0x1f3: {  	v25 =	vor.u32 s18, v8;
	v31 =	vadd.f32 v36, v34;
	v23 =	vor.u32 s11, v8;
	v20 =	vmovc v34;
	v26 =	vld.idx.msk [tilespmem:v35+s4+$0x0], $0xffff;
	[tilespmem:s14+$0xFFFFFFF0] =	vst v27;
	s14 =	smov.u32 s9;
	s9 =	smov.u32 s20;
	(pc) =	sbr.rel @p0 .LBB2_9-.Ltmp4, $4  }
0x1f4: {  	s1 =	sadd.s32 $0x100, s1;
	v28 =	vor.u32 s17, v6;
	s20 =	sadd.s32 $0x1, s25;
	v29 =	vadd.f32 v29, v14;
	v27 =	vor.u32 s8, v10;
	s8 =	smov.u32 s18;
	v30 =	vld.idx.msk [tilespmem:v30+s4+$0x0], $0xffff  }
0x1f5: {  	s18 =	smov.u32 s21;
	s21 =	smov.u32 s24;
	v42 =	vmov s20;
	v43 =	vadd.f32 v37, v12;
	s24 =	smov.u32 s20;
	v21 =	vld.idx.msk [tilespmem:v32+s15+$0x0], $0xffff;
	v32 =	vor.u32 s19, v4;
	[tilespmem:s1+$0x0] =	vst v31  }
0x1f6: {  	s22 =	smov.u32 s25;
	v35 =	vadd.f32 v33, v17;
	s20 =	smov.u32 s23;
	v36 =	vshll.u32 v42, $0x8;
	v34 =	vadd.f32 v38, v15;
	v31 =	vld.idx.msk [tilespmem:v39+s4+$0x0], $0xffff;
	[tilespmem:s23+$0x20] =	vst v29;
	s23 =	smov.u32 s1  }
0x1f7: {  	s25 =	sadd.s32 $0x2, s25;
	v37 =	vshll.u32 v42, $0x7;
	v36 =	vand.u32 $0x3800, v36;
	v33 =	vadd.f32 v40, v16;
	v29 =	vld.idx.msk [tilespmem:v41+s4+$0x0], $0xffff;
	[tilespmem:s9+$0x40] =	vst v43  }
0x1f8: {  	v19 =	vadd.s32 v19, v36;
	v63 =	vand.u32 $0x380, v37  }
0x1f9: {  	v40 =	vor.u32 s24, v3;
	v19 =	vor.u32 v63, v19  }
0x1fa: {  	v18 =	vor.u32 v18, v19;
	_ =	sdelay $0x3  }
0x1fb: {  	v41 =	vld.idx.msk [tilespmem:v40+s4+$0x0], $0xffff  }
0x1fc: {  	v18 =	vld.idx.msk [tilespmem:v18+s15+$0x0], $0xffff;
	_ =	sdelay $0x1  }
0x1fd: {  	v43 =	vor.u32 s22, v4  }
0x1fe: {  	v42 =	vor.u32 s24, v4  }
0x1ff: {  	[tilespmem:s1+$0xFFFFFF80] =	vst v35;
	v30 =	vadd.f32 v30, v21  }
0x200: {  	s25 =	sadd.s32 $0x100, s1;
	v44 =	vor.u32 s21, v5;
	v32 =	vld.idx.msk [tilespmem:v32+s4+$0x0], $0xffff;
	v19 =	vadd.f32 v41, v18  }
0x201: {  	[tilespmem:s25+$0xFFFFFF80] =	vst v30  }
0x202: {  	v31 =	vadd.f32 v31, v20;
	v45 =	vld.idx.msk [tilespmem:v43+s4+$0x0], $0xffff;
	[tilespmem:s25+$0x0] =	vst v19  }
0x203: {  	v46 =	vor.u32 s19, v5;
	v19 =	vld.idx.msk [tilespmem:v42+s4+$0x0], $0xffff  }
0x204: {  	[tilespmem:s1+$0x10] =	vst v31  }
0x205: {  	v38 =	vor.u32 s22, v5;
	v32 =	vadd.f32 v32, v17;
	v30 =	vld.idx.msk [tilespmem:v44+s4+$0x0], $0xffff  }
0x206: {  	v47 =	vor.u32 s24, v5  }
0x207: {  	[tilespmem:s1+$0xFFFFFF90] =	vst v32;
	v48 =	vadd.f32 v45, v21  }
0x208: {  	v49 =	vor.u32 s21, v6;
	v32 =	vld.idx.msk [tilespmem:v46+s4+$0x0], $0xffff;
	v19 =	vadd.f32 v19, v18  }
0x209: {  	[tilespmem:s25+$0xFFFFFF90] =	vst v48  }
0x20a: {  	v30 =	vadd.f32 v30, v20;
	v50 =	vld.idx.msk [tilespmem:v38+s4+$0x0], $0xffff;
	[tilespmem:s25+$0x10] =	vst v19  }
0x20b: {  	v51 =	vor.u32 s19, v6;
	v19 =	vld.idx.msk [tilespmem:v47+s4+$0x0], $0xffff  }
0x20c: {  	[tilespmem:s23+$0x20] =	vst v30  }
0x20d: {  	v53 =	vor.u32 s22, v6;
	[tilespmem:s20+$0xFFFFFFA0] =	vst v33;
	v32 =	vadd.f32 v32, v17;
	v30 =	vld.idx.msk [tilespmem:v49+s4+$0x0], $0xffff  }
0x20e: {  	v52 =	vor.u32 s24, v6;
	v28 =	vld.idx.msk [tilespmem:v28+s4+$0x0], $0xffff  }
0x20f: {  	[tilespmem:s23+$0xFFFFFFA0] =	vst v32;
	v54 =	vadd.f32 v50, v21  }
0x210: {  	[tilespmem:s14+$0x60] =	vst v34;
	v60 =	vor.u32 s21, v7;
	v56 =	vld.idx.msk [tilespmem:v51+s4+$0x0], $0xffff;
	v19 =	vadd.f32 v19, v18  }
0x211: {  	v24 =	vadd.f32 v24, v11;
	v58 =	vor.u32 s17, v7;
	[tilespmem:s25+$0xFFFFFFA0] =	vst v54  }
0x212: {  	v63 =	vadd.f32 v30, v20;
	v31 =	vld.idx.msk [tilespmem:v53+s4+$0x0], $0xffff;
	[tilespmem:s25+$0x20] =	vst v19  }
0x213: {  	v62 =	vor.u32 s19, v7;
	[tilespmem:s9+$0xFFFFFFC0] =	vst v24;
	v61 =	vadd.f32 v28, v16;
	v34 =	vld.idx.msk [tilespmem:v52+s4+$0x0], $0xffff  }
0x214: {  	v55 =	vor.u32 s18, v7;
	v57 =	vadd.f32 v26, v13;
	v25 =	vld.idx.msk [tilespmem:v25+s4+$0x0], $0xffff;
	[tilespmem:s23+$0x30] =	vst v63  }
0x215: {  	v59 =	vadd.f32 v29, v14;
	[tilespmem:s20+$0xFFFFFFB0] =	vst v61;
	v38 =	vor.u32 s22, v7;
	v37 =	vadd.f32 v56, v17;
	v29 =	vld.idx.msk [tilespmem:v60+s4+$0x0], $0xffff  }
0x216: {  	v36 =	vor.u32 s24, v7;
	[tilespmem:s14+$0xFFFFFFE0] =	vst v57;
	v26 =	vld.idx.msk [tilespmem:v58+s4+$0x0], $0xffff  }
0x217: {  	v27 =	vld.idx.msk [tilespmem:v27+s4+$0x0], $0xffff;
	[tilespmem:s23+$0xFFFFFFB0] =	vst v37;
	v40 =	vadd.f32 v31, v21  }
0x218: {  	[tilespmem:s20+$0x30] =	vst v59;
	v45 =	vor.u32 s21, v8;
	v28 =	vld.idx.msk [tilespmem:v62+s4+$0x0], $0xffff;
	v39 =	vadd.f32 v34, v18  }
0x219: {  	v25 =	vadd.f32 v25, v12;
	v42 =	vor.u32 s17, v8;
	v32 =	vld.idx.msk [tilespmem:v55+s4+$0x0], $0xffff;
	[tilespmem:s25+$0xFFFFFFB0] =	vst v40  }
0x21a: {  	v49 =	vadd.f32 v29, v20;
	v46 =	vld.idx.msk [tilespmem:v38+s4+$0x0], $0xffff;
	[tilespmem:s25+$0x30] =	vst v39  }
0x21b: {  	[tilespmem:s9+$0x50] =	vst v25;
	v48 =	vor.u32 s19, v8;
	v47 =	vadd.f32 v26, v16;
	v43 =	vld.idx.msk [tilespmem:v36+s4+$0x0], $0xffff  }
0x21c: {  	v23 =	vld.idx.msk [tilespmem:v23+s4+$0x0], $0xffff;
	v15 =	vadd.f32 v27, v15;
	v41 =	vor.u32 s18, v8;
	[tilespmem:s23+$0x40] =	vst v49  }
0x21d: {  	[tilespmem:s20+$0xFFFFFFC0] =	vst v47;
	v51 =	vadd.f32 v28, v17;
	v25 =	vld.idx.msk [tilespmem:v45+s4+$0x0], $0xffff;
	v52 =	vor.u32 s22, v8  }
0x21e: {  	[tilespmem:s14+$0x70] =	vst v15;
	v50 =	vor.u32 s24, v8;
	v44 =	vadd.f32 v32, v14;
	v24 =	vld.idx.msk [tilespmem:v42+s4+$0x0], $0xffff  }
0x21f: {  	v22 =	vld.idx.msk [tilespmem:v22+s4+$0x0], $0xffff;
	v55 =	vor.u32 s11, v9;
	[tilespmem:s23+$0xFFFFFFC0] =	vst v51;
	v56 =	vadd.f32 v46, v21  }
0x220: {  	[tilespmem:s20+$0x40] =	vst v44;
	v62 =	vor.u32 s21, v9;
	v26 =	vld.idx.msk [tilespmem:v48+s4+$0x0], $0xffff;
	v54 =	vadd.f32 v43, v18  }
0x221: {  	v59 =	vor.u32 s17, v9;
	v23 =	vadd.f32 v23, v11;
	v31 =	vld.idx.msk [tilespmem:v41+s4+$0x0], $0xffff;
	[tilespmem:s25+$0xFFFFFFC0] =	vst v56  }
0x222: {  	v53 =	vor.u32 s8, v9;
	v35 =	vadd.f32 v25, v20;
	v28 =	vld.idx.msk [tilespmem:v52+s4+$0x0], $0xffff;
	[tilespmem:s25+$0x40] =	vst v54  }
0x223: {  	[tilespmem:s9+$0xFFFFFFD0] =	vst v23;
	v33 =	vadd.f32 v24, v16;
	v34 =	vor.u32 s19, v9;
	v60 =	vld.idx.msk [tilespmem:v50+s4+$0x0], $0xffff  }
0x224: {  	v57 =	vor.u32 s18, v9;
	v58 =	vadd.f32 v22, v13;
	v27 =	vld.idx.msk [tilespmem:v55+s4+$0x0], $0xffff;
	[tilespmem:s23+$0x50] =	vst v35  }
0x225: {  	v38 =	vor.u32 s22, v9;
	[tilespmem:s20+$0xFFFFFFD0] =	vst v33;
	v37 =	vadd.f32 v26, v17;
	v23 =	vld.idx.msk [tilespmem:v62+s4+$0x0], $0xffff  }
0x226: {  	[tilespmem:s14+$0xFFFFFFF0] =	vst v58;
	v61 =	vadd.f32 v31, v14;
	v19 =	vld.idx.msk [tilespmem:v59+s4+$0x0], $0xffff;
	v36 =	vor.u32 s24, v9  }
0x227: {  	v63 =	vld.idx.msk [tilespmem:v53+s4+$0x0], $0xffff;
	v41 =	vor.u32 s11, v10;
	[tilespmem:s23+$0xFFFFFFD0] =	vst v37;
	v42 =	vadd.f32 v28, v21  }
0x228: {  	[tilespmem:s20+$0x50] =	vst v61;
	v48 =	vor.u32 s21, v10;
	v24 =	vld.idx.msk [tilespmem:v34+s4+$0x0], $0xffff;
	v40 =	vadd.f32 v60, v18  }
0x229: {  	v45 =	vadd.f32 v27, v11;
	v30 =	vld.idx.msk [tilespmem:v57+s4+$0x0], $0xffff;
	v46 =	vor.u32 s17, v10;
	[tilespmem:s25+$0xFFFFFFD0] =	vst v42  }
0x22a: {  	v39 =	vor.u32 s8, v10;
	v52 =	vadd.f32 v23, v20;
	v26 =	vld.idx.msk [tilespmem:v38+s4+$0x0], $0xffff;
	[tilespmem:s25+$0x50] =	vst v40  }
0x22b: {  	[tilespmem:s9+$0xFFFFFFE0] =	vst v45;
	v51 =	vor.u32 s19, v10;
	v50 =	vadd.f32 v19, v16;
	v25 =	vld.idx.msk [tilespmem:v36+s4+$0x0], $0xffff  }
0x22c: {  	v44 =	vor.u32 s18, v10;
	v22 =	vld.idx.msk [tilespmem:v41+s4+$0x0], $0xffff;
	v43 =	vadd.f32 v63, v12;
	[tilespmem:s23+$0x60] =	vst v52  }
0x22d: {  	v55 =	vor.u32 s22, v10;
	v54 =	vadd.f32 v24, v17;
	v57 =	vld.idx.msk [tilespmem:v48+s4+$0x0], $0xffff;
	[tilespmem:s20+$0xFFFFFFE0] =	vst v50  }
0x22e: {  	v53 =	vor.u32 s24, v10;
	v47 =	vadd.f32 v30, v14;
	[tilespmem:s9+$0x60] =	vst v43;
	v27 =	vld.idx.msk [tilespmem:v46+s4+$0x0], $0xffff  }
0x22f: {  	v49 =	vld.idx.msk [tilespmem:v39+s4+$0x0], $0xffff;
	[tilespmem:s23+$0xFFFFFFE0] =	vst v54;
	v58 =	vadd.f32 v26, v21  }
0x230: {  	[tilespmem:s20+$0x60] =	vst v47;
	v19 =	vld.idx.msk [tilespmem:v51+s4+$0x0], $0xffff;
	v56 =	vadd.f32 v25, v18  }
0x231: {  	v11 =	vadd.f32 v22, v11;
	v29 =	vld.idx.msk [tilespmem:v44+s4+$0x0], $0xffff;
	[tilespmem:s25+$0xFFFFFFE0] =	vst v58  }
0x232: {  	v62 =	vadd.f32 v57, v20;
	v61 =	vld.idx.msk [tilespmem:v55+s4+$0x0], $0xffff;
	[tilespmem:s25+$0x60] =	vst v56  }
0x233: {  	[tilespmem:s9+$0xFFFFFFF0] =	vst v11;
	v11 =	vadd.f32 v27, v16;
	v13 =	vld.idx.msk [tilespmem:v53+s4+$0x0], $0xffff  }
0x234: {  	v59 =	vadd.f32 v49, v12;
	[tilespmem:s23+$0x70] =	vst v62  }
0x235: {  	s10 =	sadd.s32 $0x1, s10;
	[tilespmem:s20+$0xFFFFFFF0] =	vst v11;
	v11 =	vadd.f32 v19, v17  }
0x236: {  	p0 =	sne.s32 s10, $0x19;
	v60 =	vadd.f32 v29, v14;
	[tilespmem:s9+$0x70] =	vst v59  }
.Ltmp5:
0x237: {  	s0 =	sshll.u32 s0, $0x10;
	[tilespmem:s23+$0xFFFFFFF0] =	vst v11;
	v11 =	vadd.f32 v61, v21;
	(pc) =	sbr.rel @p0 .LBB2_2-.Ltmp5, $4  }
0x238: {  	s0 =	sor.u32 s7, s0;
	[tilespmem:s20+$0x70] =	vst v60;
	v63 =	vadd.f32 v13, v18  }
0x239: {  	s0 =	sshrl.u32 s0, $0x3;
	[tilespmem:s25+$0xFFFFFFF0] =	vst v11  }
0x23a: {  	s29 =	simm.s32 $0x1C400;
	s0 =	sadd.s32 s2, s0;
	[tilespmem:s25+$0x70] =	vst v63  }
0x23b: {  	[hbm4b:s0+s12] =	stream.strided.scatter [tilespmem:s29], [sflag:$0x4], $0x2000, s13, s12, $0x38;
	[tilespmem:$0x1E400] =	vst v63  }
0x23c: {  	s0 =	simm.s32 $0x3  }
0x23d: {  	_ =	swait.ge [sflag:s0], $0x2000  }
0x23e: {  	[sflag:s0] =	ssyncset.done $0x0  }
0x23f: {  	[sflag:s0] =	ssyncadd.s32 $0xFFFFE000  }
0x240: {  	_ =	swait.ge [sflag:s31], $0x2000  }
0x241: {  	s1 =	rddreg [dreg:$0x9]  }
0x242: {  	s29 =	rddreg [dreg:$0x8];
	s1 =	sadd.s32 $0x1, s1  }
0x243: {  	p0 =	sne.s32 s1, s29  }
.Ltmp6:
0x244: {  	_ = 	snop;
	(pc) =	sbr.rel @p0 .LBB2_1-.Ltmp6, $3  }
0x245: {  	_ =	sdelay $0x1  }
0x246: {  	[sflag:s31] =	ssyncset.done $0x0  }
0x247: {  	[sflag:s31] =	ssyncadd.s32 $0xFFFFE000  }
0x248: {  	_ =	sfence.sel $0x180000  }
0x249: {  	[bflag:$0x0] =	sbarrier.arrive $0xFFFF  }
0x24a: {  	_ =	strace $0x90000047  }
0x24b: {  	s0 =	stileid.u32;
	[bflag:$0x2] =	sbarrier.arrive $0xFFFF  }
0x24c: {  	p0 =	sne.s32 s0, $0x0;
	s0 =	rddreg [dreg:$0x4]  }
0x24d: {  	s0 =	sadd.s32 @!p0 $0x100000, s0  }
0x24e: {  	[sflag:s0] =	ssyncadd.tile.s32 @!p0 $0x1;
	_ =	shalt  }
.Lfunc_end2:
_tile_overlayer_lowered:
.L_overlay_start_2:
0x24f: {  	(tag) =	ssettag $0x2  }
0x250: {  	s0 =	rddreg [dreg:$0x0];
	s2 =	stileid.u32  }
0x251: {  	s1 =	rddreg [dreg:$0x1];
	p0 =	sne.s32 s2, $0x0  }
0x252: {  	s3 =	rddreg [dreg:$0x2];
	[bflag:$0x3] =	sbarrier.arrive $0xFFFF;
	s2 =	simm.s32 @!p0 $0x1C05  }
0x253: {  	[timem:s3], [sflag:s2] =	dma.local @!p0 [hbm:s0], s1  }
0x254: {  	s0 =	simm.s32 @!p0 $0x5  }
0x255: {  	_ =	swait.ge @!p0 [sflag:s0], s1  }
0x256: {  	s1 =	ssub.s32 @!p0 $0x0, s1;
	[sflag:s0] =	ssyncset.done @!p0 $0x0  }
0x257: {  	[sflag:s0] =	ssyncadd.s32 @!p0 s1  }
0x258: {  	[bflag:$0x3] =	sbarrier.arrive $0xFFFF  }
0x259: {  	_ =	shalt  }

</sc_bundles>
